<compile_context>
chip_gen: v7x
topology: tpu7x:2x2x1
jax: 0.10.2.dev20260603
libtpu: 0.0.44.dev20260713+nightly
codegen_flags: <defaults>
</compile_context>

<pallas_src>
import functools

import jax
import jax.numpy as jnp
from jax import lax
from jax.experimental import pallas as pl
from jax.experimental.pallas import tpu as pltpu
from jax.experimental.pallas import tpu_sc as plsc

L = 16
NW = 32
FG_BG_THRESH = 0.5


def _make_sc_call(n, g):
    chunk = (n // NW) // L * L
    last = n - (NW - 1) * chunk
    assert last > 0 and last % L == 0 and chunk % L == 0 and chunk % 8 == 0
    nblk = chunk // L
    nblk_last = last // L
    cbuf = max(chunk, last)
    mesh = plsc.VectorSubcoreMesh(core_axis_name="c", subcore_axis_name="s")

    steps = []
    s = g // 2
    while s >= 1:
        steps.append(s)
        s //= 2

    @functools.partial(
        pl.kernel,
        mesh=mesh,
        compiler_params=pltpu.CompilerParams(needs_layout_passes=False),
        out_type=[
            jax.ShapeDtypeStruct((n,), jnp.int32),
            jax.ShapeDtypeStruct((n,), jnp.float32),
            jax.ShapeDtypeStruct((n,), jnp.int32),
        ],
        scratch_types=[
            pltpu.VMEM((cbuf,), jnp.float32),
            pltpu.VMEM((cbuf,), jnp.float32),
            pltpu.VMEM((cbuf,), jnp.float32),
            pltpu.VMEM((cbuf,), jnp.float32),
            pltpu.VMEM((g,), jnp.float32),
            pltpu.VMEM((g,), jnp.float32),
            pltpu.VMEM((g,), jnp.float32),
            pltpu.VMEM((g,), jnp.float32),
            pltpu.VMEM((g + L,), jnp.float32),
            pltpu.VMEM((g + L,), jnp.float32),
            pltpu.VMEM((g + L,), jnp.float32),
            pltpu.VMEM((g + L,), jnp.float32),
            pltpu.VMEM((g,), jnp.int32),
            pltpu.VMEM((g,), jnp.int32),
            pltpu.VMEM((cbuf,), jnp.int32),
            pltpu.VMEM((cbuf,), jnp.float32),
            pltpu.VMEM((cbuf,), jnp.int32),
        ],
    )
    def sc_call(px0_hbm, py0_hbm, px1_hbm, py1_hbm,
                rx0_hbm, ry0_hbm, rx1_hbm, ry1_hbm, ord_hbm, gtl_hbm,
                lab_hbm, mv_hbm, idx_hbm,
                px0_v, py0_v, px1_v, py1_v,
                rx0_v, ry0_v, rx1_v, ry1_v,
                gx0_v, gy0_v, gx1_v, gy1_v, orig_v, gtl_v,
                lab_v, mv_v, idx_v):
        cid = lax.axis_index("c")
        sid = lax.axis_index("s")
        wid = sid * 2 + cid
        base = wid * chunk
        is_last = wid == NW - 1

        pltpu.sync_copy(rx0_hbm, rx0_v)
        pltpu.sync_copy(ry0_hbm, ry0_v)
        pltpu.sync_copy(rx1_hbm, rx1_v)
        pltpu.sync_copy(ry1_hbm, ry1_v)
        pltpu.sync_copy(ord_hbm, orig_v)
        pltpu.sync_copy(gtl_hbm, gtl_v)

        @pl.when(jnp.logical_not(is_last))
        def _():
            for hbm, v in ((px0_hbm, px0_v), (py0_hbm, py0_v),
                           (px1_hbm, px1_v), (py1_hbm, py1_v)):
                pltpu.sync_copy(hbm.at[pl.ds(base, chunk)],
                                v.at[pl.ds(0, chunk)])

        @pl.when(is_last)
        def _():
            for hbm, v in ((px0_hbm, px0_v), (py0_hbm, py0_v),
                           (px1_hbm, px1_v), (py1_hbm, py1_v)):
                pltpu.sync_copy(hbm.at[pl.ds(base, last)],
                                v.at[pl.ds(0, last)])

        big = jnp.full((L,), 1.0e30, jnp.float32)
        gx0_v[pl.ds(g, L)] = big
        gy0_v[pl.ds(g, L)] = big
        gx1_v[pl.ds(g, L)] = big
        gy1_v[pl.ds(g, L)] = big

        mw = jnp.zeros((L,), jnp.float32)
        for i in range(g // L):
            ordv = orig_v[pl.ds(i * L, L)]
            x0v = plsc.load_gather(rx0_v, [ordv])
            x1v = plsc.load_gather(rx1_v, [ordv])
            gx0_v[pl.ds(i * L, L)] = x0v
            gy0_v[pl.ds(i * L, L)] = plsc.load_gather(ry0_v, [ordv])
            gx1_v[pl.ds(i * L, L)] = x1v
            gy1_v[pl.ds(i * L, L)] = plsc.load_gather(ry1_v, [ordv])
            mw = jnp.maximum(mw, x1v - x0v)
        maxw = jnp.max(mw)

        zi = jnp.zeros((L,), jnp.int32)
        zf = jnp.zeros((L,), jnp.float32)
        c0 = zi

        def block(j, _):
            off = j * L
            px0 = px0_v[pl.ds(off, L)]
            py0 = py0_v[pl.ds(off, L)]
            px1 = px1_v[pl.ds(off, L)]
            py1 = py1_v[pl.ds(off, L)]
            parea = (px1 - px0) * (py1 - py0)

            tlo = px0 - maxw
            lo = zi
            hi = zi
            for s in steps:
                vlo = plsc.load_gather(gx0_v, [lo + (s - 1)])
                lo = jnp.where(vlo < tlo, lo + s, lo)
                vhi = plsc.load_gather(gx0_v, [hi + (s - 1)])
                hi = jnp.where(vhi <= px1, hi + s, hi)
            vlo = plsc.load_gather(gx0_v, [lo])
            lo = jnp.where(vlo < tlo, lo + 1, lo)
            vhi = plsc.load_gather(gx0_v, [hi])
            hi = jnp.where(vhi <= px1, hi + 1, hi)

            trip = jnp.max(hi - lo)
            send = jnp.full((L,), g, jnp.int32)

            def citer(k, carry):
                best, bidx = carry
                safe = jnp.minimum(lo + k, send)
                gx0 = plsc.load_gather(gx0_v, [safe])
                gy0 = plsc.load_gather(gy0_v, [safe])
                gx1 = plsc.load_gather(gx1_v, [safe])
                gy1 = plsc.load_gather(gy1_v, [safe])
                ga = (gx1 - gx0) * (gy1 - gy0)
                w = jnp.maximum(
                    jnp.minimum(px1, gx1) - jnp.maximum(px0, gx0), 0.0)
                h = jnp.maximum(
                    jnp.minimum(py1, gy1) - jnp.maximum(py0, gy0), 0.0)
                inter = w * h
                union = (parea + ga) - inter
                iou = inter / union
                upd = iou > best
                best = jnp.where(upd, iou, best)
                bidx = jnp.where(upd, safe, bidx)
                return best, bidx

            best, bidx = plsc.parallel_loop(
                0, trip, 1, unroll=4, carry=(zf, zi))(citer)

            below = best < FG_BG_THRESH
            orig = plsc.load_gather(orig_v, [bidx])
            labs = plsc.load_gather(gtl_v, [orig])
            cidx = jnp.where(below, zi, orig)
            labs = jnp.where(below, zi, labs)
            mv_v[pl.ds(off, L)] = best
            idx_v[pl.ds(off, L)] = cidx
            lab_v[pl.ds(off, L)] = labs
            return 0

        lax.fori_loop(0, jnp.where(is_last, nblk_last, nblk), block, 0)

        @pl.when(jnp.logical_not(is_last))
        def _():
            pltpu.sync_copy(lab_v.at[pl.ds(0, chunk)],
                            lab_hbm.at[pl.ds(base, chunk)])
            pltpu.sync_copy(mv_v.at[pl.ds(0, chunk)],
                            mv_hbm.at[pl.ds(base, chunk)])
            pltpu.sync_copy(idx_v.at[pl.ds(0, chunk)],
                            idx_hbm.at[pl.ds(base, chunk)])

        @pl.when(is_last)
        def _():
            pltpu.sync_copy(lab_v.at[pl.ds(0, last)],
                            lab_hbm.at[pl.ds(base, last)])
            pltpu.sync_copy(mv_v.at[pl.ds(0, last)],
                            mv_hbm.at[pl.ds(base, last)])
            pltpu.sync_copy(idx_v.at[pl.ds(0, last)],
                            idx_hbm.at[pl.ds(base, last)])

    return sc_call


def _make_tc_call(m, g):
    rows = m // 128
    grid = (rows // 8,)

    def body(px0_ref, py0_ref, px1_ref, py1_ref,
             gx0_ref, gy0_ref, gx1_ref, gy1_ref, gtl_ref,
             mv_ref, idx_ref, lab_ref):
        px0 = px0_ref[...]
        py0 = py0_ref[...]
        px1 = px1_ref[...]
        py1 = py1_ref[...]
        parea = (px1 - px0) * (py1 - py0)
        zf = jnp.zeros((8, 128), jnp.float32)
        zi = jnp.zeros((8, 128), jnp.int32)

        def giter(gi, carry):
            best, bidx, blab = carry
            gx0 = gx0_ref[gi]
            gy0 = gy0_ref[gi]
            gx1 = gx1_ref[gi]
            gy1 = gy1_ref[gi]
            garea = (gx1 - gx0) * (gy1 - gy0)
            w = jnp.maximum(
                jnp.minimum(px1, gx1) - jnp.maximum(px0, gx0), 0.0)
            h = jnp.maximum(
                jnp.minimum(py1, gy1) - jnp.maximum(py0, gy0), 0.0)
            inter = w * h
            union = (parea + garea) - inter
            iou = inter / union
            upd = iou > best
            best = jnp.where(upd, iou, best)
            bidx = jnp.where(upd, jnp.full((8, 128), gi, jnp.int32), bidx)
            blab = jnp.where(upd, jnp.full((8, 128), gtl_ref[gi],
                                           jnp.int32), blab)
            return best, bidx, blab

        best, bidx, blab = lax.fori_loop(0, g, giter, (zf, zi, zi),
                                         unroll=8)
        below = best < FG_BG_THRESH
        mv_ref[...] = best
        idx_ref[...] = jnp.where(below, 0, bidx)
        lab_ref[...] = jnp.where(below, 0, blab)

    blk = pl.BlockSpec((8, 128), lambda i: (i, 0))
    smem = pl.BlockSpec(memory_space=pltpu.SMEM)
    return pl.pallas_call(
        body,
        grid=grid,
        in_specs=[blk] * 4 + [smem] * 5,
        out_specs=[blk, blk, blk],
        out_shape=[
            jax.ShapeDtypeStruct((rows, 128), jnp.float32),
            jax.ShapeDtypeStruct((rows, 128), jnp.int32),
            jax.ShapeDtypeStruct((rows, 128), jnp.int32),
        ],
    )


def kernel(proposals, gt_boxes, gt_labels):
    n = proposals.shape[0]
    g = gt_boxes.shape[0]
    tc_m = min((n * 2 // 3) // 1024 * 1024, n - NW * L)
    s = n - tc_m
    order = jnp.argsort(gt_boxes[:, 0]).astype(jnp.int32)
    px0, py0 = proposals[:, 0], proposals[:, 1]
    px1, py1 = proposals[:, 2], proposals[:, 3]
    gx0, gy0 = gt_boxes[:, 0], gt_boxes[:, 1]
    gx1, gy1 = gt_boxes[:, 2], gt_boxes[:, 3]
    lab_sc, mv_sc, idx_sc = _make_sc_call(s, g)(
        px0[:s], py0[:s], px1[:s], py1[:s],
        gx0, gy0, gx1, gy1, order, gt_labels)
    rows = tc_m // 128
    mv_tc, idx_tc, lab_tc = _make_tc_call(tc_m, g)(
        px0[s:].reshape(rows, 128), py0[s:].reshape(rows, 128),
        px1[s:].reshape(rows, 128), py1[s:].reshape(rows, 128),
        gx0, gy0, gx1, gy1, gt_labels)
    mv_tc = mv_tc.reshape(-1)
    idx_tc = idx_tc.reshape(-1)
    lab_tc = lab_tc.reshape(-1)
    lab = jnp.concatenate([lab_sc, lab_tc])
    mv = jnp.concatenate([mv_sc, mv_tc])
    idx = jnp.concatenate([idx_sc, idx_tc])
    return lab, mv, idx

# --- scband reference (transcript-rebuilt; emitter-appended) ---
"""Pipeline reference for scband-ro-iheads-59923383714455 (READ-ONLY COPY).

The authoritative reference and input builder live on the scoring server;
editing this copy changes nothing except your own understanding.
"""

import jax, jax.numpy as jnp
import numpy as np

FG_IOU_THRESH = 0.5
BG_IOU_THRESH = 0.5

def box_iou(boxes1, boxes2):
    area1 = (boxes1[:, 2] - boxes1[:, 0]) * (boxes1[:, 3] - boxes1[:, 1])
    area2 = (boxes2[:, 2] - boxes2[:, 0]) * (boxes2[:, 3] - boxes2[:, 1])
    lt = jnp.maximum(boxes1[:, None, :2], boxes2[None, :, :2])
    rb = jnp.minimum(boxes1[:, None, 2:], boxes2[None, :, 2:])
    wh = jnp.clip(rb - lt, 0.0, None)
    inter = wh[..., 0] * wh[..., 1]
    union = area1[:, None] + area2[None, :] - inter
    return inter / union

def setup_inputs(seed: int = 0):
    key = jax.random.key(seed)
    k1, k2, k3, k4, k5 = jax.random.split(key, 5)
    N, G = 20000, 128
    xy = jax.random.uniform(k1, (N, 2), dtype=jnp.float32) * 1000.0
    wh = jax.random.uniform(k2, (N, 2), dtype=jnp.float32) * 100.0 + 1.0
    proposals = jnp.concatenate([xy, xy + wh], axis=1)
    gxy = jax.random.uniform(k3, (G, 2), dtype=jnp.float32) * 1000.0
    gwh = jax.random.uniform(k4, (G, 2), dtype=jnp.float32) * 100.0 + 1.0
    gt_boxes = jnp.concatenate([gxy, gxy + gwh], axis=1)
    gt_labels = jax.random.randint(k5, (G,), 1, 91, dtype=jnp.int32)
    return {"proposals": proposals, "gt_boxes": gt_boxes, "gt_labels": gt_labels}

def reference(proposals, gt_boxes, gt_labels):
    # core of RoIHeads.assign_targets_to_proposals: box_iou + Matcher + label gather
    match_quality_matrix = box_iou(gt_boxes, proposals)  # [G, N]
    matched_vals = jnp.max(match_quality_matrix, axis=0)  # [N]
    matches = jnp.argmax(match_quality_matrix, axis=0).astype(jnp.int32)  # [N]
    below_low = matched_vals < BG_IOU_THRESH
    between = (matched_vals >= BG_IOU_THRESH) & (matched_vals < FG_IOU_THRESH)
    matches = jnp.where(below_low, -1, matches)  # BELOW_LOW_THRESHOLD
    matches = jnp.where(between, -2, matches)    # BETWEEN_THRESHOLDS
    clamped_matched_idxs = jnp.clip(matches, 0, None)
    labels = jnp.take(gt_labels, clamped_matched_idxs, axis=0)
    labels = jnp.where(matches == -1, 0, labels)   # background
    labels = jnp.where(matches == -2, -1, labels)  # ignore
    return (labels, matched_vals, clamped_matched_idxs)

if __name__ == "__main__":
    import jax
    _d = setup_inputs()
    print(jax.jit(kernel)(*tuple(_d.values())))

</pallas_src>

<mosaic_0001>
#map = affine_map<(d0, d1) -> (0)>
module attributes {stable_mosaic.version = 14 : i64} {
  func.func @sc_call(%arg0: i32, %arg1: i32, %arg2: memref<6688xf32, #tpu.memory_space<hbm>>, %arg3: memref<6688xf32, #tpu.memory_space<hbm>>, %arg4: memref<6688xf32, #tpu.memory_space<hbm>>, %arg5: memref<6688xf32, #tpu.memory_space<hbm>>, %arg6: memref<128xf32, #tpu.memory_space<hbm>>, %arg7: memref<128xf32, #tpu.memory_space<hbm>>, %arg8: memref<128xf32, #tpu.memory_space<hbm>>, %arg9: memref<128xf32, #tpu.memory_space<hbm>>, %arg10: memref<128xi32, #tpu.memory_space<hbm>>, %arg11: memref<128xi32, #tpu.memory_space<hbm>>, %arg12: memref<6688xi32, #tpu.memory_space<hbm>>, %arg13: memref<6688xf32, #tpu.memory_space<hbm>>, %arg14: memref<6688xi32, #tpu.memory_space<hbm>>, %arg15: memref<240xf32, #tpu.memory_space<vmem>>, %arg16: memref<240xf32, #tpu.memory_space<vmem>>, %arg17: memref<240xf32, #tpu.memory_space<vmem>>, %arg18: memref<240xf32, #tpu.memory_space<vmem>>, %arg19: memref<128xf32, #tpu.memory_space<vmem>>, %arg20: memref<128xf32, #tpu.memory_space<vmem>>, %arg21: memref<128xf32, #tpu.memory_space<vmem>>, %arg22: memref<128xf32, #tpu.memory_space<vmem>>, %arg23: memref<144xf32, #tpu.memory_space<vmem>>, %arg24: memref<144xf32, #tpu.memory_space<vmem>>, %arg25: memref<144xf32, #tpu.memory_space<vmem>>, %arg26: memref<144xf32, #tpu.memory_space<vmem>>, %arg27: memref<128xi32, #tpu.memory_space<vmem>>, %arg28: memref<128xi32, #tpu.memory_space<vmem>>, %arg29: memref<240xi32, #tpu.memory_space<vmem>>, %arg30: memref<240xf32, #tpu.memory_space<vmem>>, %arg31: memref<240xi32, #tpu.memory_space<vmem>>) attributes {dimension_semantics = [#tpu.dimension_semantics<core_parallel>, #tpu.dimension_semantics<subcore_parallel>], iteration_bounds = array<i64: 2, 16>, scalar_prefetch = 0 : i64, scratch_operands = 17 : i64, tpu.core_type = #tpu.core_type<sc_vector_subcore>, window_params = [{transform_indices = #map}, {transform_indices = #map}, {transform_indices = #map}, {transform_indices = #map}, {transform_indices = #map}, {transform_indices = #map}, {transform_indices = #map}, {transform_indices = #map}, {transform_indices = #map}, {transform_indices = #map}, {transform_indices = #map}, {transform_indices = #map}, {transform_indices = #map}]} {
    %mul3A = arith.constant 2 : i32
    %mul3A_0 = arith.muli %arg1, %mul3A : i32
    %add3A = arith.addi %mul3A_0, %arg0 : i32
    %mul3A_1 = arith.constant 208 : i32
    %mul3A_2 = arith.muli %add3A, %mul3A_1 : i32
    %eq3A = arith.constant 31 : i32
    %eq3A_3 = arith.cmpi eq, %add3A, %eq3A : i32
    "tpu.region"() ({
      %run_scoped3A = tpu.sem_alloc : memref<!tpu.dma_semaphore, #tpu.memory_space<semaphore_mem>>
      tpu.enqueue_dma source(%arg6 : memref<128xf32, #tpu.memory_space<hbm>>) target(%arg19 : memref<128xf32, #tpu.memory_space<vmem>>) target_semaphore(%run_scoped3A : memref<!tpu.dma_semaphore, #tpu.memory_space<semaphore_mem>>)
      tpu.wait_dma2 semaphore(%run_scoped3A : memref<!tpu.dma_semaphore, #tpu.memory_space<semaphore_mem>>) src(%arg6 : memref<128xf32, #tpu.memory_space<hbm>>) dst(%arg19 : memref<128xf32, #tpu.memory_space<vmem>>)
      tpu.yield
    }) : () -> ()
    "tpu.region"() ({
      %run_scoped3A = tpu.sem_alloc : memref<!tpu.dma_semaphore, #tpu.memory_space<semaphore_mem>>
      tpu.enqueue_dma source(%arg7 : memref<128xf32, #tpu.memory_space<hbm>>) target(%arg20 : memref<128xf32, #tpu.memory_space<vmem>>) target_semaphore(%run_scoped3A : memref<!tpu.dma_semaphore, #tpu.memory_space<semaphore_mem>>)
      tpu.wait_dma2 semaphore(%run_scoped3A : memref<!tpu.dma_semaphore, #tpu.memory_space<semaphore_mem>>) src(%arg7 : memref<128xf32, #tpu.memory_space<hbm>>) dst(%arg20 : memref<128xf32, #tpu.memory_space<vmem>>)
      tpu.yield
    }) : () -> ()
    "tpu.region"() ({
      %run_scoped3A = tpu.sem_alloc : memref<!tpu.dma_semaphore, #tpu.memory_space<semaphore_mem>>
      tpu.enqueue_dma source(%arg8 : memref<128xf32, #tpu.memory_space<hbm>>) target(%arg21 : memref<128xf32, #tpu.memory_space<vmem>>) target_semaphore(%run_scoped3A : memref<!tpu.dma_semaphore, #tpu.memory_space<semaphore_mem>>)
      tpu.wait_dma2 semaphore(%run_scoped3A : memref<!tpu.dma_semaphore, #tpu.memory_space<semaphore_mem>>) src(%arg8 : memref<128xf32, #tpu.memory_space<hbm>>) dst(%arg21 : memref<128xf32, #tpu.memory_space<vmem>>)
      tpu.yield
    }) : () -> ()
    "tpu.region"() ({
      %run_scoped3A = tpu.sem_alloc : memref<!tpu.dma_semaphore, #tpu.memory_space<semaphore_mem>>
      tpu.enqueue_dma source(%arg9 : memref<128xf32, #tpu.memory_space<hbm>>) target(%arg22 : memref<128xf32, #tpu.memory_space<vmem>>) target_semaphore(%run_scoped3A : memref<!tpu.dma_semaphore, #tpu.memory_space<semaphore_mem>>)
      tpu.wait_dma2 semaphore(%run_scoped3A : memref<!tpu.dma_semaphore, #tpu.memory_space<semaphore_mem>>) src(%arg9 : memref<128xf32, #tpu.memory_space<hbm>>) dst(%arg22 : memref<128xf32, #tpu.memory_space<vmem>>)
      tpu.yield
    }) : () -> ()
    "tpu.region"() ({
      %run_scoped3A = tpu.sem_alloc : memref<!tpu.dma_semaphore, #tpu.memory_space<semaphore_mem>>
      tpu.enqueue_dma source(%arg10 : memref<128xi32, #tpu.memory_space<hbm>>) target(%arg27 : memref<128xi32, #tpu.memory_space<vmem>>) target_semaphore(%run_scoped3A : memref<!tpu.dma_semaphore, #tpu.memory_space<semaphore_mem>>)
      tpu.wait_dma2 semaphore(%run_scoped3A : memref<!tpu.dma_semaphore, #tpu.memory_space<semaphore_mem>>) src(%arg10 : memref<128xi32, #tpu.memory_space<hbm>>) dst(%arg27 : memref<128xi32, #tpu.memory_space<vmem>>)
      tpu.yield
    }) : () -> ()
    "tpu.region"() ({
      %run_scoped3A = tpu.sem_alloc : memref<!tpu.dma_semaphore, #tpu.memory_space<semaphore_mem>>
      tpu.enqueue_dma source(%arg11 : memref<128xi32, #tpu.memory_space<hbm>>) target(%arg28 : memref<128xi32, #tpu.memory_space<vmem>>) target_semaphore(%run_scoped3A : memref<!tpu.dma_semaphore, #tpu.memory_space<semaphore_mem>>)
      tpu.wait_dma2 semaphore(%run_scoped3A : memref<!tpu.dma_semaphore, #tpu.memory_space<semaphore_mem>>) src(%arg11 : memref<128xi32, #tpu.memory_space<hbm>>) dst(%arg28 : memref<128xi32, #tpu.memory_space<vmem>>)
      tpu.yield
    }) : () -> ()
    %not3A = arith.constant true
    %not3A_4 = arith.xori %eq3A_3, %not3A : i1
    %convert_element_type3A = arith.extui %not3A_4 : i1 to i32
    %cond3A = arith.constant 0 : i32
    %cond3A_5 = arith.cmpi ne, %convert_element_type3A, %cond3A : i32
    scf.if %cond3A_5 {
      "tpu.region"() ({
        %run_scoped3A = tpu.sem_alloc : memref<!tpu.dma_semaphore, #tpu.memory_space<semaphore_mem>>
        %dma_start3A = arith.constant 0 : i32
        %dma_start3A_170 = tpu.memref_slice %arg15[%dma_start3A] : memref<240xf32, #tpu.memory_space<vmem>> -> memref<208xf32, #tpu.memory_space<vmem>>
        %dma_start3A_171 = tpu.memref_slice %arg2[%mul3A_2] : memref<6688xf32, #tpu.memory_space<hbm>> -> memref<208xf32, #tpu.memory_space<hbm>>
        %dma_start3A_172 = arith.constant 0 : i32
        %dma_start3A_173 = tpu.memref_slice %arg15[%dma_start3A_172] : memref<240xf32, #tpu.memory_space<vmem>> -> memref<208xf32, #tpu.memory_space<vmem>>
        %dma_start3A_174 = tpu.memref_slice %arg2[%mul3A_2] : memref<6688xf32, #tpu.memory_space<hbm>> -> memref<208xf32, #tpu.memory_space<hbm>>
        tpu.enqueue_dma source(%dma_start3A_174 : memref<208xf32, #tpu.memory_space<hbm>>) target(%dma_start3A_173 : memref<208xf32, #tpu.memory_space<vmem>>) target_semaphore(%run_scoped3A : memref<!tpu.dma_semaphore, #tpu.memory_space<semaphore_mem>>)
        %dma_wait3A = arith.constant 0 : i32
        %dma_wait3A_175 = tpu.memref_slice %arg15[%dma_wait3A] : memref<240xf32, #tpu.memory_space<vmem>> -> memref<208xf32, #tpu.memory_space<vmem>>
        %dma_wait3A_176 = tpu.memref_slice %arg2[%mul3A_2] : memref<6688xf32, #tpu.memory_space<hbm>> -> memref<208xf32, #tpu.memory_space<hbm>>
        %dma_wait3A_177 = arith.constant 0 : i32
        %dma_wait3A_178 = tpu.memref_slice %arg15[%dma_wait3A_177] : memref<240xf32, #tpu.memory_space<vmem>> -> memref<208xf32, #tpu.memory_space<vmem>>
        %dma_wait3A_179 = tpu.memref_slice %arg2[%mul3A_2] : memref<6688xf32, #tpu.memory_space<hbm>> -> memref<208xf32, #tpu.memory_space<hbm>>
        tpu.wait_dma2 semaphore(%run_scoped3A : memref<!tpu.dma_semaphore, #tpu.memory_space<semaphore_mem>>) src(%dma_wait3A_179 : memref<208xf32, #tpu.memory_space<hbm>>) dst(%dma_wait3A_178 : memref<208xf32, #tpu.memory_space<vmem>>)
        tpu.yield
      }) : () -> ()
      "tpu.region"() ({
        %run_scoped3A = tpu.sem_alloc : memref<!tpu.dma_semaphore, #tpu.memory_space<semaphore_mem>>
        %dma_start3A = arith.constant 0 : i32
        %dma_start3A_170 = tpu.memref_slice %arg16[%dma_start3A] : memref<240xf32, #tpu.memory_space<vmem>> -> memref<208xf32, #tpu.memory_space<vmem>>
        %dma_start3A_171 = tpu.memref_slice %arg3[%mul3A_2] : memref<6688xf32, #tpu.memory_space<hbm>> -> memref<208xf32, #tpu.memory_space<hbm>>
        %dma_start3A_172 = arith.constant 0 : i32
        %dma_start3A_173 = tpu.memref_slice %arg16[%dma_start3A_172] : memref<240xf32, #tpu.memory_space<vmem>> -> memref<208xf32, #tpu.memory_space<vmem>>
        %dma_start3A_174 = tpu.memref_slice %arg3[%mul3A_2] : memref<6688xf32, #tpu.memory_space<hbm>> -> memref<208xf32, #tpu.memory_space<hbm>>
        tpu.enqueue_dma source(%dma_start3A_174 : memref<208xf32, #tpu.memory_space<hbm>>) target(%dma_start3A_173 : memref<208xf32, #tpu.memory_space<vmem>>) target_semaphore(%run_scoped3A : memref<!tpu.dma_semaphore, #tpu.memory_space<semaphore_mem>>)
        %dma_wait3A = arith.constant 0 : i32
        %dma_wait3A_175 = tpu.memref_slice %arg16[%dma_wait3A] : memref<240xf32, #tpu.memory_space<vmem>> -> memref<208xf32, #tpu.memory_space<vmem>>
        %dma_wait3A_176 = tpu.memref_slice %arg3[%mul3A_2] : memref<6688xf32, #tpu.memory_space<hbm>> -> memref<208xf32, #tpu.memory_space<hbm>>
        %dma_wait3A_177 = arith.constant 0 : i32
        %dma_wait3A_178 = tpu.memref_slice %arg16[%dma_wait3A_177] : memref<240xf32, #tpu.memory_space<vmem>> -> memref<208xf32, #tpu.memory_space<vmem>>
        %dma_wait3A_179 = tpu.memref_slice %arg3[%mul3A_2] : memref<6688xf32, #tpu.memory_space<hbm>> -> memref<208xf32, #tpu.memory_space<hbm>>
        tpu.wait_dma2 semaphore(%run_scoped3A : memref<!tpu.dma_semaphore, #tpu.memory_space<semaphore_mem>>) src(%dma_wait3A_179 : memref<208xf32, #tpu.memory_space<hbm>>) dst(%dma_wait3A_178 : memref<208xf32, #tpu.memory_space<vmem>>)
        tpu.yield
      }) : () -> ()
      "tpu.region"() ({
        %run_scoped3A = tpu.sem_alloc : memref<!tpu.dma_semaphore, #tpu.memory_space<semaphore_mem>>
        %dma_start3A = arith.constant 0 : i32
        %dma_start3A_170 = tpu.memref_slice %arg17[%dma_start3A] : memref<240xf32, #tpu.memory_space<vmem>> -> memref<208xf32, #tpu.memory_space<vmem>>
        %dma_start3A_171 = tpu.memref_slice %arg4[%mul3A_2] : memref<6688xf32, #tpu.memory_space<hbm>> -> memref<208xf32, #tpu.memory_space<hbm>>
        %dma_start3A_172 = arith.constant 0 : i32
        %dma_start3A_173 = tpu.memref_slice %arg17[%dma_start3A_172] : memref<240xf32, #tpu.memory_space<vmem>> -> memref<208xf32, #tpu.memory_space<vmem>>
        %dma_start3A_174 = tpu.memref_slice %arg4[%mul3A_2] : memref<6688xf32, #tpu.memory_space<hbm>> -> memref<208xf32, #tpu.memory_space<hbm>>
        tpu.enqueue_dma source(%dma_start3A_174 : memref<208xf32, #tpu.memory_space<hbm>>) target(%dma_start3A_173 : memref<208xf32, #tpu.memory_space<vmem>>) target_semaphore(%run_scoped3A : memref<!tpu.dma_semaphore, #tpu.memory_space<semaphore_mem>>)
        %dma_wait3A = arith.constant 0 : i32
        %dma_wait3A_175 = tpu.memref_slice %arg17[%dma_wait3A] : memref<240xf32, #tpu.memory_space<vmem>> -> memref<208xf32, #tpu.memory_space<vmem>>
        %dma_wait3A_176 = tpu.memref_slice %arg4[%mul3A_2] : memref<6688xf32, #tpu.memory_space<hbm>> -> memref<208xf32, #tpu.memory_space<hbm>>
        %dma_wait3A_177 = arith.constant 0 : i32
        %dma_wait3A_178 = tpu.memref_slice %arg17[%dma_wait3A_177] : memref<240xf32, #tpu.memory_space<vmem>> -> memref<208xf32, #tpu.memory_space<vmem>>
        %dma_wait3A_179 = tpu.memref_slice %arg4[%mul3A_2] : memref<6688xf32, #tpu.memory_space<hbm>> -> memref<208xf32, #tpu.memory_space<hbm>>
        tpu.wait_dma2 semaphore(%run_scoped3A : memref<!tpu.dma_semaphore, #tpu.memory_space<semaphore_mem>>) src(%dma_wait3A_179 : memref<208xf32, #tpu.memory_space<hbm>>) dst(%dma_wait3A_178 : memref<208xf32, #tpu.memory_space<vmem>>)
        tpu.yield
      }) : () -> ()
      "tpu.region"() ({
        %run_scoped3A = tpu.sem_alloc : memref<!tpu.dma_semaphore, #tpu.memory_space<semaphore_mem>>
        %dma_start3A = arith.constant 0 : i32
        %dma_start3A_170 = tpu.memref_slice %arg18[%dma_start3A] : memref<240xf32, #tpu.memory_space<vmem>> -> memref<208xf32, #tpu.memory_space<vmem>>
        %dma_start3A_171 = tpu.memref_slice %arg5[%mul3A_2] : memref<6688xf32, #tpu.memory_space<hbm>> -> memref<208xf32, #tpu.memory_space<hbm>>
        %dma_start3A_172 = arith.constant 0 : i32
        %dma_start3A_173 = tpu.memref_slice %arg18[%dma_start3A_172] : memref<240xf32, #tpu.memory_space<vmem>> -> memref<208xf32, #tpu.memory_space<vmem>>
        %dma_start3A_174 = tpu.memref_slice %arg5[%mul3A_2] : memref<6688xf32, #tpu.memory_space<hbm>> -> memref<208xf32, #tpu.memory_space<hbm>>
        tpu.enqueue_dma source(%dma_start3A_174 : memref<208xf32, #tpu.memory_space<hbm>>) target(%dma_start3A_173 : memref<208xf32, #tpu.memory_space<vmem>>) target_semaphore(%run_scoped3A : memref<!tpu.dma_semaphore, #tpu.memory_space<semaphore_mem>>)
        %dma_wait3A = arith.constant 0 : i32
        %dma_wait3A_175 = tpu.memref_slice %arg18[%dma_wait3A] : memref<240xf32, #tpu.memory_space<vmem>> -> memref<208xf32, #tpu.memory_space<vmem>>
        %dma_wait3A_176 = tpu.memref_slice %arg5[%mul3A_2] : memref<6688xf32, #tpu.memory_space<hbm>> -> memref<208xf32, #tpu.memory_space<hbm>>
        %dma_wait3A_177 = arith.constant 0 : i32
        %dma_wait3A_178 = tpu.memref_slice %arg18[%dma_wait3A_177] : memref<240xf32, #tpu.memory_space<vmem>> -> memref<208xf32, #tpu.memory_space<vmem>>
        %dma_wait3A_179 = tpu.memref_slice %arg5[%mul3A_2] : memref<6688xf32, #tpu.memory_space<hbm>> -> memref<208xf32, #tpu.memory_space<hbm>>
        tpu.wait_dma2 semaphore(%run_scoped3A : memref<!tpu.dma_semaphore, #tpu.memory_space<semaphore_mem>>) src(%dma_wait3A_179 : memref<208xf32, #tpu.memory_space<hbm>>) dst(%dma_wait3A_178 : memref<208xf32, #tpu.memory_space<vmem>>)
        tpu.yield
      }) : () -> ()
    } else {
    }
    %convert_element_type3A_6 = arith.extui %eq3A_3 : i1 to i32
    %cond3A_7 = arith.constant 0 : i32
    %cond3A_8 = arith.cmpi ne, %convert_element_type3A_6, %cond3A_7 : i32
    scf.if %cond3A_8 {
      "tpu.region"() ({
        %run_scoped3A = tpu.sem_alloc : memref<!tpu.dma_semaphore, #tpu.memory_space<semaphore_mem>>
        %dma_start3A = arith.constant 0 : i32
        %dma_start3A_170 = tpu.memref_slice %arg15[%dma_start3A] : memref<240xf32, #tpu.memory_space<vmem>> -> memref<240xf32, #tpu.memory_space<vmem>>
        %dma_start3A_171 = tpu.memref_slice %arg2[%mul3A_2] : memref<6688xf32, #tpu.memory_space<hbm>> -> memref<240xf32, #tpu.memory_space<hbm>>
        %dma_start3A_172 = arith.constant 0 : i32
        %dma_start3A_173 = tpu.memref_slice %arg15[%dma_start3A_172] : memref<240xf32, #tpu.memory_space<vmem>> -> memref<240xf32, #tpu.memory_space<vmem>>
        %dma_start3A_174 = tpu.memref_slice %arg2[%mul3A_2] : memref<6688xf32, #tpu.memory_space<hbm>> -> memref<240xf32, #tpu.memory_space<hbm>>
        tpu.enqueue_dma source(%dma_start3A_174 : memref<240xf32, #tpu.memory_space<hbm>>) target(%dma_start3A_173 : memref<240xf32, #tpu.memory_space<vmem>>) target_semaphore(%run_scoped3A : memref<!tpu.dma_semaphore, #tpu.memory_space<semaphore_mem>>)
        %dma_wait3A = arith.constant 0 : i32
        %dma_wait3A_175 = tpu.memref_slice %arg15[%dma_wait3A] : memref<240xf32, #tpu.memory_space<vmem>> -> memref<240xf32, #tpu.memory_space<vmem>>
        %dma_wait3A_176 = tpu.memref_slice %arg2[%mul3A_2] : memref<6688xf32, #tpu.memory_space<hbm>> -> memref<240xf32, #tpu.memory_space<hbm>>
        %dma_wait3A_177 = arith.constant 0 : i32
        %dma_wait3A_178 = tpu.memref_slice %arg15[%dma_wait3A_177] : memref<240xf32, #tpu.memory_space<vmem>> -> memref<240xf32, #tpu.memory_space<vmem>>
        %dma_wait3A_179 = tpu.memref_slice %arg2[%mul3A_2] : memref<6688xf32, #tpu.memory_space<hbm>> -> memref<240xf32, #tpu.memory_space<hbm>>
        tpu.wait_dma2 semaphore(%run_scoped3A : memref<!tpu.dma_semaphore, #tpu.memory_space<semaphore_mem>>) src(%dma_wait3A_179 : memref<240xf32, #tpu.memory_space<hbm>>) dst(%dma_wait3A_178 : memref<240xf32, #tpu.memory_space<vmem>>)
        tpu.yield
      }) : () -> ()
      "tpu.region"() ({
        %run_scoped3A = tpu.sem_alloc : memref<!tpu.dma_semaphore, #tpu.memory_space<semaphore_mem>>
        %dma_start3A = arith.constant 0 : i32
        %dma_start3A_170 = tpu.memref_slice %arg16[%dma_start3A] : memref<240xf32, #tpu.memory_space<vmem>> -> memref<240xf32, #tpu.memory_space<vmem>>
        %dma_start3A_171 = tpu.memref_slice %arg3[%mul3A_2] : memref<6688xf32, #tpu.memory_space<hbm>> -> memref<240xf32, #tpu.memory_space<hbm>>
        %dma_start3A_172 = arith.constant 0 : i32
        %dma_start3A_173 = tpu.memref_slice %arg16[%dma_start3A_172] : memref<240xf32, #tpu.memory_space<vmem>> -> memref<240xf32, #tpu.memory_space<vmem>>
        %dma_start3A_174 = tpu.memref_slice %arg3[%mul3A_2] : memref<6688xf32, #tpu.memory_space<hbm>> -> memref<240xf32, #tpu.memory_space<hbm>>
        tpu.enqueue_dma source(%dma_start3A_174 : memref<240xf32, #tpu.memory_space<hbm>>) target(%dma_start3A_173 : memref<240xf32, #tpu.memory_space<vmem>>) target_semaphore(%run_scoped3A : memref<!tpu.dma_semaphore, #tpu.memory_space<semaphore_mem>>)
        %dma_wait3A = arith.constant 0 : i32
        %dma_wait3A_175 = tpu.memref_slice %arg16[%dma_wait3A] : memref<240xf32, #tpu.memory_space<vmem>> -> memref<240xf32, #tpu.memory_space<vmem>>
        %dma_wait3A_176 = tpu.memref_slice %arg3[%mul3A_2] : memref<6688xf32, #tpu.memory_space<hbm>> -> memref<240xf32, #tpu.memory_space<hbm>>
        %dma_wait3A_177 = arith.constant 0 : i32
        %dma_wait3A_178 = tpu.memref_slice %arg16[%dma_wait3A_177] : memref<240xf32, #tpu.memory_space<vmem>> -> memref<240xf32, #tpu.memory_space<vmem>>
        %dma_wait3A_179 = tpu.memref_slice %arg3[%mul3A_2] : memref<6688xf32, #tpu.memory_space<hbm>> -> memref<240xf32, #tpu.memory_space<hbm>>
        tpu.wait_dma2 semaphore(%run_scoped3A : memref<!tpu.dma_semaphore, #tpu.memory_space<semaphore_mem>>) src(%dma_wait3A_179 : memref<240xf32, #tpu.memory_space<hbm>>) dst(%dma_wait3A_178 : memref<240xf32, #tpu.memory_space<vmem>>)
        tpu.yield
      }) : () -> ()
      "tpu.region"() ({
        %run_scoped3A = tpu.sem_alloc : memref<!tpu.dma_semaphore, #tpu.memory_space<semaphore_mem>>
        %dma_start3A = arith.constant 0 : i32
        %dma_start3A_170 = tpu.memref_slice %arg17[%dma_start3A] : memref<240xf32, #tpu.memory_space<vmem>> -> memref<240xf32, #tpu.memory_space<vmem>>
        %dma_start3A_171 = tpu.memref_slice %arg4[%mul3A_2] : memref<6688xf32, #tpu.memory_space<hbm>> -> memref<240xf32, #tpu.memory_space<hbm>>
        %dma_start3A_172 = arith.constant 0 : i32
        %dma_start3A_173 = tpu.memref_slice %arg17[%dma_start3A_172] : memref<240xf32, #tpu.memory_space<vmem>> -> memref<240xf32, #tpu.memory_space<vmem>>
        %dma_start3A_174 = tpu.memref_slice %arg4[%mul3A_2] : memref<6688xf32, #tpu.memory_space<hbm>> -> memref<240xf32, #tpu.memory_space<hbm>>
        tpu.enqueue_dma source(%dma_start3A_174 : memref<240xf32, #tpu.memory_space<hbm>>) target(%dma_start3A_173 : memref<240xf32, #tpu.memory_space<vmem>>) target_semaphore(%run_scoped3A : memref<!tpu.dma_semaphore, #tpu.memory_space<semaphore_mem>>)
        %dma_wait3A = arith.constant 0 : i32
        %dma_wait3A_175 = tpu.memref_slice %arg17[%dma_wait3A] : memref<240xf32, #tpu.memory_space<vmem>> -> memref<240xf32, #tpu.memory_space<vmem>>
        %dma_wait3A_176 = tpu.memref_slice %arg4[%mul3A_2] : memref<6688xf32, #tpu.memory_space<hbm>> -> memref<240xf32, #tpu.memory_space<hbm>>
        %dma_wait3A_177 = arith.constant 0 : i32
        %dma_wait3A_178 = tpu.memref_slice %arg17[%dma_wait3A_177] : memref<240xf32, #tpu.memory_space<vmem>> -> memref<240xf32, #tpu.memory_space<vmem>>
        %dma_wait3A_179 = tpu.memref_slice %arg4[%mul3A_2] : memref<6688xf32, #tpu.memory_space<hbm>> -> memref<240xf32, #tpu.memory_space<hbm>>
        tpu.wait_dma2 semaphore(%run_scoped3A : memref<!tpu.dma_semaphore, #tpu.memory_space<semaphore_mem>>) src(%dma_wait3A_179 : memref<240xf32, #tpu.memory_space<hbm>>) dst(%dma_wait3A_178 : memref<240xf32, #tpu.memory_space<vmem>>)
        tpu.yield
      }) : () -> ()
      "tpu.region"() ({
        %run_scoped3A = tpu.sem_alloc : memref<!tpu.dma_semaphore, #tpu.memory_space<semaphore_mem>>
        %dma_start3A = arith.constant 0 : i32
        %dma_start3A_170 = tpu.memref_slice %arg18[%dma_start3A] : memref<240xf32, #tpu.memory_space<vmem>> -> memref<240xf32, #tpu.memory_space<vmem>>
        %dma_start3A_171 = tpu.memref_slice %arg5[%mul3A_2] : memref<6688xf32, #tpu.memory_space<hbm>> -> memref<240xf32, #tpu.memory_space<hbm>>
        %dma_start3A_172 = arith.constant 0 : i32
        %dma_start3A_173 = tpu.memref_slice %arg18[%dma_start3A_172] : memref<240xf32, #tpu.memory_space<vmem>> -> memref<240xf32, #tpu.memory_space<vmem>>
        %dma_start3A_174 = tpu.memref_slice %arg5[%mul3A_2] : memref<6688xf32, #tpu.memory_space<hbm>> -> memref<240xf32, #tpu.memory_space<hbm>>
        tpu.enqueue_dma source(%dma_start3A_174 : memref<240xf32, #tpu.memory_space<hbm>>) target(%dma_start3A_173 : memref<240xf32, #tpu.memory_space<vmem>>) target_semaphore(%run_scoped3A : memref<!tpu.dma_semaphore, #tpu.memory_space<semaphore_mem>>)
        %dma_wait3A = arith.constant 0 : i32
        %dma_wait3A_175 = tpu.memref_slice %arg18[%dma_wait3A] : memref<240xf32, #tpu.memory_space<vmem>> -> memref<240xf32, #tpu.memory_space<vmem>>
        %dma_wait3A_176 = tpu.memref_slice %arg5[%mul3A_2] : memref<6688xf32, #tpu.memory_space<hbm>> -> memref<240xf32, #tpu.memory_space<hbm>>
        %dma_wait3A_177 = arith.constant 0 : i32
        %dma_wait3A_178 = tpu.memref_slice %arg18[%dma_wait3A_177] : memref<240xf32, #tpu.memory_space<vmem>> -> memref<240xf32, #tpu.memory_space<vmem>>
        %dma_wait3A_179 = tpu.memref_slice %arg5[%mul3A_2] : memref<6688xf32, #tpu.memory_space<hbm>> -> memref<240xf32, #tpu.memory_space<hbm>>
        tpu.wait_dma2 semaphore(%run_scoped3A : memref<!tpu.dma_semaphore, #tpu.memory_space<semaphore_mem>>) src(%dma_wait3A_179 : memref<240xf32, #tpu.memory_space<hbm>>) dst(%dma_wait3A_178 : memref<240xf32, #tpu.memory_space<vmem>>)
        tpu.yield
      }) : () -> ()
    } else {
    }
    %broadcast_in_dim3A = arith.constant 1.000000e+30 : f32
    %broadcast_in_dim3A_9 = vector.broadcast %broadcast_in_dim3A : f32 to vector<16xf32>
    %swap3A = arith.constant 128 : index
    %swap3A_10 = tpu.vector_load %arg23[%swap3A] {strides = array<i32>} : memref<144xf32, #tpu.memory_space<vmem>>, vector<16xf32>,
    tpu.vector_store %arg23[%swap3A], %broadcast_in_dim3A_9 {strides = array<i32>} : memref<144xf32, #tpu.memory_space<vmem>>, vector<16xf32>,
    %swap3A_11 = arith.constant 128 : index
    %swap3A_12 = tpu.vector_load %arg24[%swap3A_11] {strides = array<i32>} : memref<144xf32, #tpu.memory_space<vmem>>, vector<16xf32>,
    tpu.vector_store %arg24[%swap3A_11], %broadcast_in_dim3A_9 {strides = array<i32>} : memref<144xf32, #tpu.memory_space<vmem>>, vector<16xf32>,
    %swap3A_13 = arith.constant 128 : index
    %swap3A_14 = tpu.vector_load %arg25[%swap3A_13] {strides = array<i32>} : memref<144xf32, #tpu.memory_space<vmem>>, vector<16xf32>,
    tpu.vector_store %arg25[%swap3A_13], %broadcast_in_dim3A_9 {strides = array<i32>} : memref<144xf32, #tpu.memory_space<vmem>>, vector<16xf32>,
    %swap3A_15 = arith.constant 128 : index
    %swap3A_16 = tpu.vector_load %arg26[%swap3A_15] {strides = array<i32>} : memref<144xf32, #tpu.memory_space<vmem>>, vector<16xf32>,
    tpu.vector_store %arg26[%swap3A_15], %broadcast_in_dim3A_9 {strides = array<i32>} : memref<144xf32, #tpu.memory_space<vmem>>, vector<16xf32>,
    %broadcast_in_dim3A_17 = arith.constant 0.000000e+00 : f32
    %broadcast_in_dim3A_18 = vector.broadcast %broadcast_in_dim3A_17 : f32 to vector<16xf32>
    %get3A = arith.constant 0 : index
    %get3A_19 = tpu.vector_load %arg27[%get3A] {strides = array<i32>} : memref<128xi32, #tpu.memory_space<vmem>>, vector<16xi32>,
    %gather3A = tpu.vector_load_idx %arg19[%get3A_19] : memref<128xf32, #tpu.memory_space<vmem>>[vector<16xi32>], vector<16xf32>,
    %gather3A_20 = tpu.vector_load_idx %arg21[%get3A_19] : memref<128xf32, #tpu.memory_space<vmem>>[vector<16xi32>], vector<16xf32>,
    %swap3A_21 = arith.constant 0 : index
    %swap3A_22 = tpu.vector_load %arg23[%swap3A_21] {strides = array<i32>} : memref<144xf32, #tpu.memory_space<vmem>>, vector<16xf32>,
    tpu.vector_store %arg23[%swap3A_21], %gather3A {strides = array<i32>} : memref<144xf32, #tpu.memory_space<vmem>>, vector<16xf32>,
    %gather3A_23 = tpu.vector_load_idx %arg20[%get3A_19] : memref<128xf32, #tpu.memory_space<vmem>>[vector<16xi32>], vector<16xf32>,
    %swap3A_24 = arith.constant 0 : index
    %swap3A_25 = tpu.vector_load %arg24[%swap3A_24] {strides = array<i32>} : memref<144xf32, #tpu.memory_space<vmem>>, vector<16xf32>,
    tpu.vector_store %arg24[%swap3A_24], %gather3A_23 {strides = array<i32>} : memref<144xf32, #tpu.memory_space<vmem>>, vector<16xf32>,
    %swap3A_26 = arith.constant 0 : index
    %swap3A_27 = tpu.vector_load %arg25[%swap3A_26] {strides = array<i32>} : memref<144xf32, #tpu.memory_space<vmem>>, vector<16xf32>,
    tpu.vector_store %arg25[%swap3A_26], %gather3A_20 {strides = array<i32>} : memref<144xf32, #tpu.memory_space<vmem>>, vector<16xf32>,
    %gather3A_28 = tpu.vector_load_idx %arg22[%get3A_19] : memref<128xf32, #tpu.memory_space<vmem>>[vector<16xi32>], vector<16xf32>,
    %swap3A_29 = arith.constant 0 : index
    %swap3A_30 = tpu.vector_load %arg26[%swap3A_29] {strides = array<i32>} : memref<144xf32, #tpu.memory_space<vmem>>, vector<16xf32>,
    tpu.vector_store %arg26[%swap3A_29], %gather3A_28 {strides = array<i32>} : memref<144xf32, #tpu.memory_space<vmem>>, vector<16xf32>,
    %sub3A = arith.subf %gather3A_20, %gather3A : vector<16xf32>
    %max3A = arith.maximumf %broadcast_in_dim3A_18, %sub3A : vector<16xf32>
    %get3A_31 = arith.constant 16 : index
    %get3A_32 = tpu.vector_load %arg27[%get3A_31] {strides = array<i32>} : memref<128xi32, #tpu.memory_space<vmem>>, vector<16xi32>,
    %gather3A_33 = tpu.vector_load_idx %arg19[%get3A_32] : memref<128xf32, #tpu.memory_space<vmem>>[vector<16xi32>], vector<16xf32>,
    %gather3A_34 = tpu.vector_load_idx %arg21[%get3A_32] : memref<128xf32, #tpu.memory_space<vmem>>[vector<16xi32>], vector<16xf32>,
    %swap3A_35 = arith.constant 16 : index
    %swap3A_36 = tpu.vector_load %arg23[%swap3A_35] {strides = array<i32>} : memref<144xf32, #tpu.memory_space<vmem>>, vector<16xf32>,
    tpu.vector_store %arg23[%swap3A_35], %gather3A_33 {strides = array<i32>} : memref<144xf32, #tpu.memory_space<vmem>>, vector<16xf32>,
    %gather3A_37 = tpu.vector_load_idx %arg20[%get3A_32] : memref<128xf32, #tpu.memory_space<vmem>>[vector<16xi32>], vector<16xf32>,
    %swap3A_38 = arith.constant 16 : index
    %swap3A_39 = tpu.vector_load %arg24[%swap3A_38] {strides = array<i32>} : memref<144xf32, #tpu.memory_space<vmem>>, vector<16xf32>,
    tpu.vector_store %arg24[%swap3A_38], %gather3A_37 {strides = array<i32>} : memref<144xf32, #tpu.memory_space<vmem>>, vector<16xf32>,
    %swap3A_40 = arith.constant 16 : index
    %swap3A_41 = tpu.vector_load %arg25[%swap3A_40] {strides = array<i32>} : memref<144xf32, #tpu.memory_space<vmem>>, vector<16xf32>,
    tpu.vector_store %arg25[%swap3A_40], %gather3A_34 {strides = array<i32>} : memref<144xf32, #tpu.memory_space<vmem>>, vector<16xf32>,
    %gather3A_42 = tpu.vector_load_idx %arg22[%get3A_32] : memref<128xf32, #tpu.memory_space<vmem>>[vector<16xi32>], vector<16xf32>,
    %swap3A_43 = arith.constant 16 : index
    %swap3A_44 = tpu.vector_load %arg26[%swap3A_43] {strides = array<i32>} : memref<144xf32, #tpu.memory_space<vmem>>, vector<16xf32>,
    tpu.vector_store %arg26[%swap3A_43], %gather3A_42 {strides = array<i32>} : memref<144xf32, #tpu.memory_space<vmem>>, vector<16xf32>,
    %sub3A_45 = arith.subf %gather3A_34, %gather3A_33 : vector<16xf32>
    %max3A_46 = arith.maximumf %max3A, %sub3A_45 : vector<16xf32>
    %get3A_47 = arith.constant 32 : index
    %get3A_48 = tpu.vector_load %arg27[%get3A_47] {strides = array<i32>} : memref<128xi32, #tpu.memory_space<vmem>>, vector<16xi32>,
    %gather3A_49 = tpu.vector_load_idx %arg19[%get3A_48] : memref<128xf32, #tpu.memory_space<vmem>>[vector<16xi32>], vector<16xf32>,
    %gather3A_50 = tpu.vector_load_idx %arg21[%get3A_48] : memref<128xf32, #tpu.memory_space<vmem>>[vector<16xi32>], vector<16xf32>,
    %swap3A_51 = arith.constant 32 : index
    %swap3A_52 = tpu.vector_load %arg23[%swap3A_51] {strides = array<i32>} : memref<144xf32, #tpu.memory_space<vmem>>, vector<16xf32>,
    tpu.vector_store %arg23[%swap3A_51], %gather3A_49 {strides = array<i32>} : memref<144xf32, #tpu.memory_space<vmem>>, vector<16xf32>,
    %gather3A_53 = tpu.vector_load_idx %arg20[%get3A_48] : memref<128xf32, #tpu.memory_space<vmem>>[vector<16xi32>], vector<16xf32>,
    %swap3A_54 = arith.constant 32 : index
    %swap3A_55 = tpu.vector_load %arg24[%swap3A_54] {strides = array<i32>} : memref<144xf32, #tpu.memory_space<vmem>>, vector<16xf32>,
    tpu.vector_store %arg24[%swap3A_54], %gather3A_53 {strides = array<i32>} : memref<144xf32, #tpu.memory_space<vmem>>, vector<16xf32>,
    %swap3A_56 = arith.constant 32 : index
    %swap3A_57 = tpu.vector_load %arg25[%swap3A_56] {strides = array<i32>} : memref<144xf32, #tpu.memory_space<vmem>>, vector<16xf32>,
    tpu.vector_store %arg25[%swap3A_56], %gather3A_50 {strides = array<i32>} : memref<144xf32, #tpu.memory_space<vmem>>, vector<16xf32>,
    %gather3A_58 = tpu.vector_load_idx %arg22[%get3A_48] : memref<128xf32, #tpu.memory_space<vmem>>[vector<16xi32>], vector<16xf32>,
    %swap3A_59 = arith.constant 32 : index
    %swap3A_60 = tpu.vector_load %arg26[%swap3A_59] {strides = array<i32>} : memref<144xf32, #tpu.memory_space<vmem>>, vector<16xf32>,
    tpu.vector_store %arg26[%swap3A_59], %gather3A_58 {strides = array<i32>} : memref<144xf32, #tpu.memory_space<vmem>>, vector<16xf32>,
    %sub3A_61 = arith.subf %gather3A_50, %gather3A_49 : vector<16xf32>
    %max3A_62 = arith.maximumf %max3A_46, %sub3A_61 : vector<16xf32>
    %get3A_63 = arith.constant 48 : index
    %get3A_64 = tpu.vector_load %arg27[%get3A_63] {strides = array<i32>} : memref<128xi32, #tpu.memory_space<vmem>>, vector<16xi32>,
    %gather3A_65 = tpu.vector_load_idx %arg19[%get3A_64] : memref<128xf32, #tpu.memory_space<vmem>>[vector<16xi32>], vector<16xf32>,
    %gather3A_66 = tpu.vector_load_idx %arg21[%get3A_64] : memref<128xf32, #tpu.memory_space<vmem>>[vector<16xi32>], vector<16xf32>,
    %swap3A_67 = arith.constant 48 : index
    %swap3A_68 = tpu.vector_load %arg23[%swap3A_67] {strides = array<i32>} : memref<144xf32, #tpu.memory_space<vmem>>, vector<16xf32>,
    tpu.vector_store %arg23[%swap3A_67], %gather3A_65 {strides = array<i32>} : memref<144xf32, #tpu.memory_space<vmem>>, vector<16xf32>,
    %gather3A_69 = tpu.vector_load_idx %arg20[%get3A_64] : memref<128xf32, #tpu.memory_space<vmem>>[vector<16xi32>], vector<16xf32>,
    %swap3A_70 = arith.constant 48 : index
    %swap3A_71 = tpu.vector_load %arg24[%swap3A_70] {strides = array<i32>} : memref<144xf32, #tpu.memory_space<vmem>>, vector<16xf32>,
    tpu.vector_store %arg24[%swap3A_70], %gather3A_69 {strides = array<i32>} : memref<144xf32, #tpu.memory_space<vmem>>, vector<16xf32>,
    %swap3A_72 = arith.constant 48 : index
    %swap3A_73 = tpu.vector_load %arg25[%swap3A_72] {strides = array<i32>} : memref<144xf32, #tpu.memory_space<vmem>>, vector<16xf32>,
    tpu.vector_store %arg25[%swap3A_72], %gather3A_66 {strides = array<i32>} : memref<144xf32, #tpu.memory_space<vmem>>, vector<16xf32>,
    %gather3A_74 = tpu.vector_load_idx %arg22[%get3A_64] : memref<128xf32, #tpu.memory_space<vmem>>[vector<16xi32>], vector<16xf32>,
    %swap3A_75 = arith.constant 48 : index
    %swap3A_76 = tpu.vector_load %arg26[%swap3A_75] {strides = array<i32>} : memref<144xf32, #tpu.memory_space<vmem>>, vector<16xf32>,
    tpu.vector_store %arg26[%swap3A_75], %gather3A_74 {strides = array<i32>} : memref<144xf32, #tpu.memory_space<vmem>>, vector<16xf32>,
    %sub3A_77 = arith.subf %gather3A_66, %gather3A_65 : vector<16xf32>
    %max3A_78 = arith.maximumf %max3A_62, %sub3A_77 : vector<16xf32>
    %get3A_79 = arith.constant 64 : index
    %get3A_80 = tpu.vector_load %arg27[%get3A_79] {strides = array<i32>} : memref<128xi32, #tpu.memory_space<vmem>>, vector<16xi32>,
    %gather3A_81 = tpu.vector_load_idx %arg19[%get3A_80] : memref<128xf32, #tpu.memory_space<vmem>>[vector<16xi32>], vector<16xf32>,
    %gather3A_82 = tpu.vector_load_idx %arg21[%get3A_80] : memref<128xf32, #tpu.memory_space<vmem>>[vector<16xi32>], vector<16xf32>,
    %swap3A_83 = arith.constant 64 : index
    %swap3A_84 = tpu.vector_load %arg23[%swap3A_83] {strides = array<i32>} : memref<144xf32, #tpu.memory_space<vmem>>, vector<16xf32>,
    tpu.vector_store %arg23[%swap3A_83], %gather3A_81 {strides = array<i32>} : memref<144xf32, #tpu.memory_space<vmem>>, vector<16xf32>,
    %gather3A_85 = tpu.vector_load_idx %arg20[%get3A_80] : memref<128xf32, #tpu.memory_space<vmem>>[vector<16xi32>], vector<16xf32>,
    %swap3A_86 = arith.constant 64 : index
    %swap3A_87 = tpu.vector_load %arg24[%swap3A_86] {strides = array<i32>} : memref<144xf32, #tpu.memory_space<vmem>>, vector<16xf32>,
    tpu.vector_store %arg24[%swap3A_86], %gather3A_85 {strides = array<i32>} : memref<144xf32, #tpu.memory_space<vmem>>, vector<16xf32>,
    %swap3A_88 = arith.constant 64 : index
    %swap3A_89 = tpu.vector_load %arg25[%swap3A_88] {strides = array<i32>} : memref<144xf32, #tpu.memory_space<vmem>>, vector<16xf32>,
    tpu.vector_store %arg25[%swap3A_88], %gather3A_82 {strides = array<i32>} : memref<144xf32, #tpu.memory_space<vmem>>, vector<16xf32>,
    %gather3A_90 = tpu.vector_load_idx %arg22[%get3A_80] : memref<128xf32, #tpu.memory_space<vmem>>[vector<16xi32>], vector<16xf32>,
    %swap3A_91 = arith.constant 64 : index
    %swap3A_92 = tpu.vector_load %arg26[%swap3A_91] {strides = array<i32>} : memref<144xf32, #tpu.memory_space<vmem>>, vector<16xf32>,
    tpu.vector_store %arg26[%swap3A_91], %gather3A_90 {strides = array<i32>} : memref<144xf32, #tpu.memory_space<vmem>>, vector<16xf32>,
    %sub3A_93 = arith.subf %gather3A_82, %gather3A_81 : vector<16xf32>
    %max3A_94 = arith.maximumf %max3A_78, %sub3A_93 : vector<16xf32>
    %get3A_95 = arith.constant 80 : index
    %get3A_96 = tpu.vector_load %arg27[%get3A_95] {strides = array<i32>} : memref<128xi32, #tpu.memory_space<vmem>>, vector<16xi32>,
    %gather3A_97 = tpu.vector_load_idx %arg19[%get3A_96] : memref<128xf32, #tpu.memory_space<vmem>>[vector<16xi32>], vector<16xf32>,
    %gather3A_98 = tpu.vector_load_idx %arg21[%get3A_96] : memref<128xf32, #tpu.memory_space<vmem>>[vector<16xi32>], vector<16xf32>,
    %swap3A_99 = arith.constant 80 : index
    %swap3A_100 = tpu.vector_load %arg23[%swap3A_99] {strides = array<i32>} : memref<144xf32, #tpu.memory_space<vmem>>, vector<16xf32>,
    tpu.vector_store %arg23[%swap3A_99], %gather3A_97 {strides = array<i32>} : memref<144xf32, #tpu.memory_space<vmem>>, vector<16xf32>,
    %gather3A_101 = tpu.vector_load_idx %arg20[%get3A_96] : memref<128xf32, #tpu.memory_space<vmem>>[vector<16xi32>], vector<16xf32>,
    %swap3A_102 = arith.constant 80 : index
    %swap3A_103 = tpu.vector_load %arg24[%swap3A_102] {strides = array<i32>} : memref<144xf32, #tpu.memory_space<vmem>>, vector<16xf32>,
    tpu.vector_store %arg24[%swap3A_102], %gather3A_101 {strides = array<i32>} : memref<144xf32, #tpu.memory_space<vmem>>, vector<16xf32>,
    %swap3A_104 = arith.constant 80 : index
    %swap3A_105 = tpu.vector_load %arg25[%swap3A_104] {strides = array<i32>} : memref<144xf32, #tpu.memory_space<vmem>>, vector<16xf32>,
    tpu.vector_store %arg25[%swap3A_104], %gather3A_98 {strides = array<i32>} : memref<144xf32, #tpu.memory_space<vmem>>, vector<16xf32>,
    %gather3A_106 = tpu.vector_load_idx %arg22[%get3A_96] : memref<128xf32, #tpu.memory_space<vmem>>[vector<16xi32>], vector<16xf32>,
    %swap3A_107 = arith.constant 80 : index
    %swap3A_108 = tpu.vector_load %arg26[%swap3A_107] {strides = array<i32>} : memref<144xf32, #tpu.memory_space<vmem>>, vector<16xf32>,
    tpu.vector_store %arg26[%swap3A_107], %gather3A_106 {strides = array<i32>} : memref<144xf32, #tpu.memory_space<vmem>>, vector<16xf32>,
    %sub3A_109 = arith.subf %gather3A_98, %gather3A_97 : vector<16xf32>
    %max3A_110 = arith.maximumf %max3A_94, %sub3A_109 : vector<16xf32>
    %get3A_111 = arith.constant 96 : index
    %get3A_112 = tpu.vector_load %arg27[%get3A_111] {strides = array<i32>} : memref<128xi32, #tpu.memory_space<vmem>>, vector<16xi32>,
    %gather3A_113 = tpu.vector_load_idx %arg19[%get3A_112] : memref<128xf32, #tpu.memory_space<vmem>>[vector<16xi32>], vector<16xf32>,
    %gather3A_114 = tpu.vector_load_idx %arg21[%get3A_112] : memref<128xf32, #tpu.memory_space<vmem>>[vector<16xi32>], vector<16xf32>,
    %swap3A_115 = arith.constant 96 : index
    %swap3A_116 = tpu.vector_load %arg23[%swap3A_115] {strides = array<i32>} : memref<144xf32, #tpu.memory_space<vmem>>, vector<16xf32>,
    tpu.vector_store %arg23[%swap3A_115], %gather3A_113 {strides = array<i32>} : memref<144xf32, #tpu.memory_space<vmem>>, vector<16xf32>,
    %gather3A_117 = tpu.vector_load_idx %arg20[%get3A_112] : memref<128xf32, #tpu.memory_space<vmem>>[vector<16xi32>], vector<16xf32>,
    %swap3A_118 = arith.constant 96 : index
    %swap3A_119 = tpu.vector_load %arg24[%swap3A_118] {strides = array<i32>} : memref<144xf32, #tpu.memory_space<vmem>>, vector<16xf32>,
    tpu.vector_store %arg24[%swap3A_118], %gather3A_117 {strides = array<i32>} : memref<144xf32, #tpu.memory_space<vmem>>, vector<16xf32>,
    %swap3A_120 = arith.constant 96 : index
    %swap3A_121 = tpu.vector_load %arg25[%swap3A_120] {strides = array<i32>} : memref<144xf32, #tpu.memory_space<vmem>>, vector<16xf32>,
    tpu.vector_store %arg25[%swap3A_120], %gather3A_114 {strides = array<i32>} : memref<144xf32, #tpu.memory_space<vmem>>, vector<16xf32>,
    %gather3A_122 = tpu.vector_load_idx %arg22[%get3A_112] : memref<128xf32, #tpu.memory_space<vmem>>[vector<16xi32>], vector<16xf32>,
    %swap3A_123 = arith.constant 96 : index
    %swap3A_124 = tpu.vector_load %arg26[%swap3A_123] {strides = array<i32>} : memref<144xf32, #tpu.memory_space<vmem>>, vector<16xf32>,
    tpu.vector_store %arg26[%swap3A_123], %gather3A_122 {strides = array<i32>} : memref<144xf32, #tpu.memory_space<vmem>>, vector<16xf32>,
    %sub3A_125 = arith.subf %gather3A_114, %gather3A_113 : vector<16xf32>
    %max3A_126 = arith.maximumf %max3A_110, %sub3A_125 : vector<16xf32>
    %get3A_127 = arith.constant 112 : index
    %get3A_128 = tpu.vector_load %arg27[%get3A_127] {strides = array<i32>} : memref<128xi32, #tpu.memory_space<vmem>>, vector<16xi32>,
    %gather3A_129 = tpu.vector_load_idx %arg19[%get3A_128] : memref<128xf32, #tpu.memory_space<vmem>>[vector<16xi32>], vector<16xf32>,
    %gather3A_130 = tpu.vector_load_idx %arg21[%get3A_128] : memref<128xf32, #tpu.memory_space<vmem>>[vector<16xi32>], vector<16xf32>,
    %swap3A_131 = arith.constant 112 : index
    %swap3A_132 = tpu.vector_load %arg23[%swap3A_131] {strides = array<i32>} : memref<144xf32, #tpu.memory_space<vmem>>, vector<16xf32>,
    tpu.vector_store %arg23[%swap3A_131], %gather3A_129 {strides = array<i32>} : memref<144xf32, #tpu.memory_space<vmem>>, vector<16xf32>,
    %gather3A_133 = tpu.vector_load_idx %arg20[%get3A_128] : memref<128xf32, #tpu.memory_space<vmem>>[vector<16xi32>], vector<16xf32>,
    %swap3A_134 = arith.constant 112 : index
    %swap3A_135 = tpu.vector_load %arg24[%swap3A_134] {strides = array<i32>} : memref<144xf32, #tpu.memory_space<vmem>>, vector<16xf32>,
    tpu.vector_store %arg24[%swap3A_134], %gather3A_133 {strides = array<i32>} : memref<144xf32, #tpu.memory_space<vmem>>, vector<16xf32>,
    %swap3A_136 = arith.constant 112 : index
    %swap3A_137 = tpu.vector_load %arg25[%swap3A_136] {strides = array<i32>} : memref<144xf32, #tpu.memory_space<vmem>>, vector<16xf32>,
    tpu.vector_store %arg25[%swap3A_136], %gather3A_130 {strides = array<i32>} : memref<144xf32, #tpu.memory_space<vmem>>, vector<16xf32>,
    %gather3A_138 = tpu.vector_load_idx %arg22[%get3A_128] : memref<128xf32, #tpu.memory_space<vmem>>[vector<16xi32>], vector<16xf32>,
    %swap3A_139 = arith.constant 112 : index
    %swap3A_140 = tpu.vector_load %arg26[%swap3A_139] {strides = array<i32>} : memref<144xf32, #tpu.memory_space<vmem>>, vector<16xf32>,
    tpu.vector_store %arg26[%swap3A_139], %gather3A_138 {strides = array<i32>} : memref<144xf32, #tpu.memory_space<vmem>>, vector<16xf32>,
    %sub3A_141 = arith.subf %gather3A_130, %gather3A_129 : vector<16xf32>
    %max3A_142 = arith.maximumf %max3A_126, %sub3A_141 : vector<16xf32>
    %reduce_max3A = arith.constant true
    %reduce_max3A_143 = vector.broadcast %reduce_max3A : i1 to vector<16xi1>
    %reduce_max3A_144 = tpu.scan <max>, %max3A_142 masked %reduce_max3A_143 : vector<16xf32>, vector<16xi1> -> vector<16xf32>
    %reduce_max3A_145 = vector.extract %reduce_max3A_144[15] : f32 from vector<16xf32>
    %broadcast_in_dim3A_146 = arith.constant 0 : i32
    %broadcast_in_dim3A_147 = vector.broadcast %broadcast_in_dim3A_146 : i32 to vector<16xi32>
    %broadcast_in_dim3A_148 = arith.constant 0.000000e+00 : f32
    %broadcast_in_dim3A_149 = vector.broadcast %broadcast_in_dim3A_148 : f32 to vector<16xf32>
    %jit3A = arith.constant 15 : i32
    %jit3A_150 = arith.constant 13 : i32
    %select_n3A = arith.select %eq3A_3, %jit3A, %jit3A_150 : i32
    %while3A = arith.constant 0 : i32
    %while3A_151 = arith.constant 0 : i32
    %while3A_152 = arith.subi %select_n3A, %while3A : i32
    %while3A_153 = arith.addi %while3A, %while3A_152 : i32
    %while3A_154 = arith.constant 1 : i32
    %while3A_155 = arith.divsi %while3A_152, %while3A_154 : i32
    %while3A_156 = arith.muli %while3A_155, %while3A_154 : i32
    %while3A_157 = arith.addi %while3A, %while3A_156 : i32
    %while3A_158 = arith.constant 1 : i32
    %while3A_159 = scf.for %while3A_170 = %while3A to %while3A_157 step %while3A_158 iter_args(%while3A_171 = %while3A_151) -> (i32)  : i32 {
      %mul3A_172 = arith.constant 16 : i32
      %mul3A_173 = arith.muli %while3A_170, %mul3A_172 : i32
      %get3A_174 = arith.index_cast %mul3A_173 : i32 to index
      %get3A_175 = tpu.vector_load %arg15[%get3A_174] {strides = array<i32>} : memref<240xf32, #tpu.memory_space<vmem>>, vector<16xf32>,
      %get3A_176 = arith.index_cast %mul3A_173 : i32 to index
      %get3A_177 = tpu.vector_load %arg16[%get3A_176] {strides = array<i32>} : memref<240xf32, #tpu.memory_space<vmem>>, vector<16xf32>,
      %get3A_178 = arith.index_cast %mul3A_173 : i32 to index
      %get3A_179 = tpu.vector_load %arg17[%get3A_178] {strides = array<i32>} : memref<240xf32, #tpu.memory_space<vmem>>, vector<16xf32>,
      %get3A_180 = arith.index_cast %mul3A_173 : i32 to index
      %get3A_181 = tpu.vector_load %arg18[%get3A_180] {strides = array<i32>} : memref<240xf32, #tpu.memory_space<vmem>>, vector<16xf32>,
      %sub3A_182 = arith.subf %get3A_179, %get3A_175 : vector<16xf32>
      %sub3A_183 = arith.subf %get3A_181, %get3A_177 : vector<16xf32>
      %mul3A_184 = arith.mulf %sub3A_182, %sub3A_183 : vector<16xf32>
      %sub3A_185 = vector.broadcast %reduce_max3A_145 : f32 to vector<16xf32>
      %sub3A_186 = arith.subf %get3A_175, %sub3A_185 : vector<16xf32>
      %add3A_187 = arith.constant 63 : i32
      %add3A_188 = vector.broadcast %add3A_187 : i32 to vector<16xi32>
      %add3A_189 = arith.addi %broadcast_in_dim3A_147, %add3A_188 : vector<16xi32>
      %gather3A_190 = tpu.vector_load_idx %arg23[%add3A_189] : memref<144xf32, #tpu.memory_space<vmem>>[vector<16xi32>], vector<16xf32>,
      %lt3A = arith.cmpf olt, %gather3A_190, %sub3A_186 : vector<16xf32>
      %add3A_191 = arith.constant 64 : i32
      %add3A_192 = vector.broadcast %add3A_191 : i32 to vector<16xi32>
      %add3A_193 = arith.addi %broadcast_in_dim3A_147, %add3A_192 : vector<16xi32>
      %select_n3A_194 = arith.select %lt3A, %add3A_193, %broadcast_in_dim3A_147 : vector<16xi1>, vector<16xi32>
      %add3A_195 = arith.constant 63 : i32
      %add3A_196 = vector.broadcast %add3A_195 : i32 to vector<16xi32>
      %add3A_197 = arith.addi %broadcast_in_dim3A_147, %add3A_196 : vector<16xi32>
      %gather3A_198 = tpu.vector_load_idx %arg23[%add3A_197] : memref<144xf32, #tpu.memory_space<vmem>>[vector<16xi32>], vector<16xf32>,
      %le3A = arith.cmpf ole, %gather3A_198, %get3A_179 : vector<16xf32>
      %add3A_199 = arith.constant 64 : i32
      %add3A_200 = vector.broadcast %add3A_199 : i32 to vector<16xi32>
      %add3A_201 = arith.addi %broadcast_in_dim3A_147, %add3A_200 : vector<16xi32>
      %select_n3A_202 = arith.select %le3A, %add3A_201, %broadcast_in_dim3A_147 : vector<16xi1>, vector<16xi32>
      %add3A_203 = arith.constant 31 : i32
      %add3A_204 = vector.broadcast %add3A_203 : i32 to vector<16xi32>
      %add3A_205 = arith.addi %select_n3A_194, %add3A_204 : vector<16xi32>
      %gather3A_206 = tpu.vector_load_idx %arg23[%add3A_205] : memref<144xf32, #tpu.memory_space<vmem>>[vector<16xi32>], vector<16xf32>,
      %lt3A_207 = arith.cmpf olt, %gather3A_206, %sub3A_186 : vector<16xf32>
      %add3A_208 = arith.constant 32 : i32
      %add3A_209 = vector.broadcast %add3A_208 : i32 to vector<16xi32>
      %add3A_210 = arith.addi %select_n3A_194, %add3A_209 : vector<16xi32>
      %select_n3A_211 = arith.select %lt3A_207, %add3A_210, %select_n3A_194 : vector<16xi1>, vector<16xi32>
      %add3A_212 = arith.constant 31 : i32
      %add3A_213 = vector.broadcast %add3A_212 : i32 to vector<16xi32>
      %add3A_214 = arith.addi %select_n3A_202, %add3A_213 : vector<16xi32>
      %gather3A_215 = tpu.vector_load_idx %arg23[%add3A_214] : memref<144xf32, #tpu.memory_space<vmem>>[vector<16xi32>], vector<16xf32>,
      %le3A_216 = arith.cmpf ole, %gather3A_215, %get3A_179 : vector<16xf32>
      %add3A_217 = arith.constant 32 : i32
      %add3A_218 = vector.broadcast %add3A_217 : i32 to vector<16xi32>
      %add3A_219 = arith.addi %select_n3A_202, %add3A_218 : vector<16xi32>
      %select_n3A_220 = arith.select %le3A_216, %add3A_219, %select_n3A_202 : vector<16xi1>, vector<16xi32>
      %add3A_221 = arith.constant 15 : i32
      %add3A_222 = vector.broadcast %add3A_221 : i32 to vector<16xi32>
      %add3A_223 = arith.addi %select_n3A_211, %add3A_222 : vector<16xi32>
      %gather3A_224 = tpu.vector_load_idx %arg23[%add3A_223] : memref<144xf32, #tpu.memory_space<vmem>>[vector<16xi32>], vector<16xf32>,
      %lt3A_225 = arith.cmpf olt, %gather3A_224, %sub3A_186 : vector<16xf32>
      %add3A_226 = arith.constant 16 : i32
      %add3A_227 = vector.broadcast %add3A_226 : i32 to vector<16xi32>
      %add3A_228 = arith.addi %select_n3A_211, %add3A_227 : vector<16xi32>
      %select_n3A_229 = arith.select %lt3A_225, %add3A_228, %select_n3A_211 : vector<16xi1>, vector<16xi32>
      %add3A_230 = arith.constant 15 : i32
      %add3A_231 = vector.broadcast %add3A_230 : i32 to vector<16xi32>
      %add3A_232 = arith.addi %select_n3A_220, %add3A_231 : vector<16xi32>
      %gather3A_233 = tpu.vector_load_idx %arg23[%add3A_232] : memref<144xf32, #tpu.memory_space<vmem>>[vector<16xi32>], vector<16xf32>,
      %le3A_234 = arith.cmpf ole, %gather3A_233, %get3A_179 : vector<16xf32>
      %add3A_235 = arith.constant 16 : i32
      %add3A_236 = vector.broadcast %add3A_235 : i32 to vector<16xi32>
      %add3A_237 = arith.addi %select_n3A_220, %add3A_236 : vector<16xi32>
      %select_n3A_238 = arith.select %le3A_234, %add3A_237, %select_n3A_220 : vector<16xi1>, vector<16xi32>
      %add3A_239 = arith.constant 7 : i32
      %add3A_240 = vector.broadcast %add3A_239 : i32 to vector<16xi32>
      %add3A_241 = arith.addi %select_n3A_229, %add3A_240 : vector<16xi32>
      %gather3A_242 = tpu.vector_load_idx %arg23[%add3A_241] : memref<144xf32, #tpu.memory_space<vmem>>[vector<16xi32>], vector<16xf32>,
      %lt3A_243 = arith.cmpf olt, %gather3A_242, %sub3A_186 : vector<16xf32>
      %add3A_244 = arith.constant 8 : i32
      %add3A_245 = vector.broadcast %add3A_244 : i32 to vector<16xi32>
      %add3A_246 = arith.addi %select_n3A_229, %add3A_245 : vector<16xi32>
      %select_n3A_247 = arith.select %lt3A_243, %add3A_246, %select_n3A_229 : vector<16xi1>, vector<16xi32>
      %add3A_248 = arith.constant 7 : i32
      %add3A_249 = vector.broadcast %add3A_248 : i32 to vector<16xi32>
      %add3A_250 = arith.addi %select_n3A_238, %add3A_249 : vector<16xi32>
      %gather3A_251 = tpu.vector_load_idx %arg23[%add3A_250] : memref<144xf32, #tpu.memory_space<vmem>>[vector<16xi32>], vector<16xf32>,
      %le3A_252 = arith.cmpf ole, %gather3A_251, %get3A_179 : vector<16xf32>
      %add3A_253 = arith.constant 8 : i32
      %add3A_254 = vector.broadcast %add3A_253 : i32 to vector<16xi32>
      %add3A_255 = arith.addi %select_n3A_238, %add3A_254 : vector<16xi32>
      %select_n3A_256 = arith.select %le3A_252, %add3A_255, %select_n3A_238 : vector<16xi1>, vector<16xi32>
      %add3A_257 = arith.constant 3 : i32
      %add3A_258 = vector.broadcast %add3A_257 : i32 to vector<16xi32>
      %add3A_259 = arith.addi %select_n3A_247, %add3A_258 : vector<16xi32>
      %gather3A_260 = tpu.vector_load_idx %arg23[%add3A_259] : memref<144xf32, #tpu.memory_space<vmem>>[vector<16xi32>], vector<16xf32>,
      %lt3A_261 = arith.cmpf olt, %gather3A_260, %sub3A_186 : vector<16xf32>
      %add3A_262 = arith.constant 4 : i32
      %add3A_263 = vector.broadcast %add3A_262 : i32 to vector<16xi32>
      %add3A_264 = arith.addi %select_n3A_247, %add3A_263 : vector<16xi32>
      %select_n3A_265 = arith.select %lt3A_261, %add3A_264, %select_n3A_247 : vector<16xi1>, vector<16xi32>
      %add3A_266 = arith.constant 3 : i32
      %add3A_267 = vector.broadcast %add3A_266 : i32 to vector<16xi32>
      %add3A_268 = arith.addi %select_n3A_256, %add3A_267 : vector<16xi32>
      %gather3A_269 = tpu.vector_load_idx %arg23[%add3A_268] : memref<144xf32, #tpu.memory_space<vmem>>[vector<16xi32>], vector<16xf32>,
      %le3A_270 = arith.cmpf ole, %gather3A_269, %get3A_179 : vector<16xf32>
      %add3A_271 = arith.constant 4 : i32
      %add3A_272 = vector.broadcast %add3A_271 : i32 to vector<16xi32>
      %add3A_273 = arith.addi %select_n3A_256, %add3A_272 : vector<16xi32>
      %select_n3A_274 = arith.select %le3A_270, %add3A_273, %select_n3A_256 : vector<16xi1>, vector<16xi32>
      %add3A_275 = arith.constant 1 : i32
      %add3A_276 = vector.broadcast %add3A_275 : i32 to vector<16xi32>
      %add3A_277 = arith.addi %select_n3A_265, %add3A_276 : vector<16xi32>
      %gather3A_278 = tpu.vector_load_idx %arg23[%add3A_277] : memref<144xf32, #tpu.memory_space<vmem>>[vector<16xi32>], vector<16xf32>,
      %lt3A_279 = arith.cmpf olt, %gather3A_278, %sub3A_186 : vector<16xf32>
      %add3A_280 = arith.constant 2 : i32
      %add3A_281 = vector.broadcast %add3A_280 : i32 to vector<16xi32>
      %add3A_282 = arith.addi %select_n3A_265, %add3A_281 : vector<16xi32>
      %select_n3A_283 = arith.select %lt3A_279, %add3A_282, %select_n3A_265 : vector<16xi1>, vector<16xi32>
      %add3A_284 = arith.constant 1 : i32
      %add3A_285 = vector.broadcast %add3A_284 : i32 to vector<16xi32>
      %add3A_286 = arith.addi %select_n3A_274, %add3A_285 : vector<16xi32>
      %gather3A_287 = tpu.vector_load_idx %arg23[%add3A_286] : memref<144xf32, #tpu.memory_space<vmem>>[vector<16xi32>], vector<16xf32>,
      %le3A_288 = arith.cmpf ole, %gather3A_287, %get3A_179 : vector<16xf32>
      %add3A_289 = arith.constant 2 : i32
      %add3A_290 = vector.broadcast %add3A_289 : i32 to vector<16xi32>
      %add3A_291 = arith.addi %select_n3A_274, %add3A_290 : vector<16xi32>
      %select_n3A_292 = arith.select %le3A_288, %add3A_291, %select_n3A_274 : vector<16xi1>, vector<16xi32>
      %add3A_293 = arith.constant 0 : i32
      %add3A_294 = vector.broadcast %add3A_293 : i32 to vector<16xi32>
      %add3A_295 = arith.addi %select_n3A_283, %add3A_294 : vector<16xi32>
      %gather3A_296 = tpu.vector_load_idx %arg23[%add3A_295] : memref<144xf32, #tpu.memory_space<vmem>>[vector<16xi32>], vector<16xf32>,
      %lt3A_297 = arith.cmpf olt, %gather3A_296, %sub3A_186 : vector<16xf32>
      %add3A_298 = arith.constant 1 : i32
      %add3A_299 = vector.broadcast %add3A_298 : i32 to vector<16xi32>
      %add3A_300 = arith.addi %select_n3A_283, %add3A_299 : vector<16xi32>
      %select_n3A_301 = arith.select %lt3A_297, %add3A_300, %select_n3A_283 : vector<16xi1>, vector<16xi32>
      %add3A_302 = arith.constant 0 : i32
      %add3A_303 = vector.broadcast %add3A_302 : i32 to vector<16xi32>
      %add3A_304 = arith.addi %select_n3A_292, %add3A_303 : vector<16xi32>
      %gather3A_305 = tpu.vector_load_idx %arg23[%add3A_304] : memref<144xf32, #tpu.memory_space<vmem>>[vector<16xi32>], vector<16xf32>,
      %le3A_306 = arith.cmpf ole, %gather3A_305, %get3A_179 : vector<16xf32>
      %add3A_307 = arith.constant 1 : i32
      %add3A_308 = vector.broadcast %add3A_307 : i32 to vector<16xi32>
      %add3A_309 = arith.addi %select_n3A_292, %add3A_308 : vector<16xi32>
      %select_n3A_310 = arith.select %le3A_306, %add3A_309, %select_n3A_292 : vector<16xi1>, vector<16xi32>
      %gather3A_311 = tpu.vector_load_idx %arg23[%select_n3A_301] : memref<144xf32, #tpu.memory_space<vmem>>[vector<16xi32>], vector<16xf32>,
      %lt3A_312 = arith.cmpf olt, %gather3A_311, %sub3A_186 : vector<16xf32>
      %add3A_313 = arith.constant 1 : i32
      %add3A_314 = vector.broadcast %add3A_313 : i32 to vector<16xi32>
      %add3A_315 = arith.addi %select_n3A_301, %add3A_314 : vector<16xi32>
      %select_n3A_316 = arith.select %lt3A_312, %add3A_315, %select_n3A_301 : vector<16xi1>, vector<16xi32>
      %gather3A_317 = tpu.vector_load_idx %arg23[%select_n3A_310] : memref<144xf32, #tpu.memory_space<vmem>>[vector<16xi32>], vector<16xf32>,
      %le3A_318 = arith.cmpf ole, %gather3A_317, %get3A_179 : vector<16xf32>
      %add3A_319 = arith.constant 1 : i32
      %add3A_320 = vector.broadcast %add3A_319 : i32 to vector<16xi32>
      %add3A_321 = arith.addi %select_n3A_310, %add3A_320 : vector<16xi32>
      %select_n3A_322 = arith.select %le3A_318, %add3A_321, %select_n3A_310 : vector<16xi1>, vector<16xi32>
      %sub3A_323 = arith.subi %select_n3A_322, %select_n3A_316 : vector<16xi32>
      %reduce_max3A_324 = arith.constant true
      %reduce_max3A_325 = vector.broadcast %reduce_max3A_324 : i1 to vector<16xi1>
      %reduce_max3A_326 = arith.constant -2147483648 : i32
      %reduce_max3A_327 = vector.broadcast %reduce_max3A_326 : i32 to vector<16xi32>
      %reduce_max3A_328 = arith.xori %sub3A_323, %reduce_max3A_327 : vector<16xi32>
      %reduce_max3A_329 = tpu.scan <max>, %reduce_max3A_328 masked %reduce_max3A_325 : vector<16xi32>, vector<16xi1> -> vector<16xi32>
      %reduce_max3A_330 = arith.xori %reduce_max3A_329, %reduce_max3A_327 : vector<16xi32>
      %reduce_max3A_331 = vector.extract %reduce_max3A_330[15] : i32 from vector<16xi32>
      %broadcast_in_dim3A_332 = arith.constant 128 : i32
      %broadcast_in_dim3A_333 = vector.broadcast %broadcast_in_dim3A_332 : i32 to vector<16xi32>
      %parallel_loop3A = arith.constant 0 : i32
      %parallel_loop3A_334 = arith.constant 1 : i32
      %parallel_loop3A_335:2 = scf.for %parallel_loop3A_350 = %parallel_loop3A to %reduce_max3A_331 step %parallel_loop3A_334 iter_args(%parallel_loop3A_351 = %broadcast_in_dim3A_149, %parallel_loop3A_352 = %broadcast_in_dim3A_147) -> (vector<16xf32>, vector<16xi32>)  : i32 {
        %parallel_loop3A_353 = vector.broadcast %parallel_loop3A_350 : i32 to vector<16xi32>
        %parallel_loop3A_354 = arith.addi %select_n3A_316, %parallel_loop3A_353 : vector<16xi32>
        %parallel_loop3A_355 = arith.minsi %parallel_loop3A_354, %broadcast_in_dim3A_333 : vector<16xi32>
        %parallel_loop3A_356 = tpu.vector_load_idx %arg23[%parallel_loop3A_355] : memref<144xf32, #tpu.memory_space<vmem>>[vector<16xi32>], vector<16xf32>,
        %parallel_loop3A_357 = tpu.vector_load_idx %arg24[%parallel_loop3A_355] : memref<144xf32, #tpu.memory_space<vmem>>[vector<16xi32>], vector<16xf32>,
        %parallel_loop3A_358 = tpu.vector_load_idx %arg25[%parallel_loop3A_355] : memref<144xf32, #tpu.memory_space<vmem>>[vector<16xi32>], vector<16xf32>,
        %parallel_loop3A_359 = tpu.vector_load_idx %arg26[%parallel_loop3A_355] : memref<144xf32, #tpu.memory_space<vmem>>[vector<16xi32>], vector<16xf32>,
        %parallel_loop3A_360 = arith.subf %parallel_loop3A_358, %parallel_loop3A_356 : vector<16xf32>
        %parallel_loop3A_361 = arith.subf %parallel_loop3A_359, %parallel_loop3A_357 : vector<16xf32>
        %parallel_loop3A_362 = arith.mulf %parallel_loop3A_360, %parallel_loop3A_361 : vector<16xf32>
        %parallel_loop3A_363 = arith.minimumf %get3A_179, %parallel_loop3A_358 : vector<16xf32>
        %parallel_loop3A_364 = arith.maximumf %get3A_175, %parallel_loop3A_356 : vector<16xf32>
        %parallel_loop3A_365 = arith.subf %parallel_loop3A_363, %parallel_loop3A_364 : vector<16xf32>
        %parallel_loop3A_366 = arith.constant 0.000000e+00 : f32
        %parallel_loop3A_367 = vector.broadcast %parallel_loop3A_366 : f32 to vector<16xf32>
        %parallel_loop3A_368 = arith.maximumf %parallel_loop3A_365, %parallel_loop3A_367 : vector<16xf32>
        %parallel_loop3A_369 = arith.minimumf %get3A_181, %parallel_loop3A_359 : vector<16xf32>
        %parallel_loop3A_370 = arith.maximumf %get3A_177, %parallel_loop3A_357 : vector<16xf32>
        %parallel_loop3A_371 = arith.subf %parallel_loop3A_369, %parallel_loop3A_370 : vector<16xf32>
        %parallel_loop3A_372 = arith.constant 0.000000e+00 : f32
        %parallel_loop3A_373 = vector.broadcast %parallel_loop3A_372 : f32 to vector<16xf32>
        %parallel_loop3A_374 = arith.maximumf %parallel_loop3A_371, %parallel_loop3A_373 : vector<16xf32>
        %parallel_loop3A_375 = arith.mulf %parallel_loop3A_368, %parallel_loop3A_374 : vector<16xf32>
        %parallel_loop3A_376 = arith.addf %mul3A_184, %parallel_loop3A_362 : vector<16xf32>
        %parallel_loop3A_377 = arith.subf %parallel_loop3A_376, %parallel_loop3A_375 : vector<16xf32>
        %parallel_loop3A_378 = arith.divf %parallel_loop3A_375, %parallel_loop3A_377 : vector<16xf32>
        %parallel_loop3A_379 = arith.cmpf ogt, %parallel_loop3A_378, %parallel_loop3A_351 : vector<16xf32>
        %parallel_loop3A_380 = arith.select %parallel_loop3A_379, %parallel_loop3A_378, %parallel_loop3A_351 : vector<16xi1>, vector<16xf32>
        %parallel_loop3A_381 = arith.select %parallel_loop3A_379, %parallel_loop3A_355, %parallel_loop3A_352 : vector<16xi1>, vector<16xi32>
        scf.yield %parallel_loop3A_380, %parallel_loop3A_381 : vector<16xf32>, vector<16xi32>
      } {sc.loop_unroll_factor = 4 : i64, sc.parallel_access}
      %lt3A_336 = arith.constant 5.000000e-01 : f32
      %lt3A_337 = vector.broadcast %lt3A_336 : f32 to vector<16xf32>
      %lt3A_338 = arith.cmpf olt, %parallel_loop3A_335#0, %lt3A_337 : vector<16xf32>
      %gather3A_339 = tpu.vector_load_idx %arg27[%parallel_loop3A_335#1] : memref<128xi32, #tpu.memory_space<vmem>>[vector<16xi32>], vector<16xi32>,
      %gather3A_340 = tpu.vector_load_idx %arg28[%gather3A_339] : memref<128xi32, #tpu.memory_space<vmem>>[vector<16xi32>], vector<16xi32>,
      %select_n3A_341 = arith.select %lt3A_338, %broadcast_in_dim3A_147, %gather3A_339 : vector<16xi1>, vector<16xi32>
      %select_n3A_342 = arith.select %lt3A_338, %broadcast_in_dim3A_147, %gather3A_340 : vector<16xi1>, vector<16xi32>
      %swap3A_343 = arith.index_cast %mul3A_173 : i32 to index
      %swap3A_344 = tpu.vector_load %arg30[%swap3A_343] {strides = array<i32>} : memref<240xf32, #tpu.memory_space<vmem>>, vector<16xf32>,
      tpu.vector_store %arg30[%swap3A_343], %parallel_loop3A_335#0 {strides = array<i32>} : memref<240xf32, #tpu.memory_space<vmem>>, vector<16xf32>,
      %swap3A_345 = arith.index_cast %mul3A_173 : i32 to index
      %swap3A_346 = tpu.vector_load %arg31[%swap3A_345] {strides = array<i32>} : memref<240xi32, #tpu.memory_space<vmem>>, vector<16xi32>,
      tpu.vector_store %arg31[%swap3A_345], %select_n3A_341 {strides = array<i32>} : memref<240xi32, #tpu.memory_space<vmem>>, vector<16xi32>,
      %swap3A_347 = arith.index_cast %mul3A_173 : i32 to index
      %swap3A_348 = tpu.vector_load %arg29[%swap3A_347] {strides = array<i32>} : memref<240xi32, #tpu.memory_space<vmem>>, vector<16xi32>,
      tpu.vector_store %arg29[%swap3A_347], %select_n3A_342 {strides = array<i32>} : memref<240xi32, #tpu.memory_space<vmem>>, vector<16xi32>,
      %while3A_349 = arith.constant 0 : i32
      scf.yield %while3A_349 : i32
    }
    %while3A_160 = arith.constant 1 : i32
    %while3A_161 = scf.for %while3A_170 = %while3A_157 to %while3A_153 step %while3A_160 iter_args(%while3A_171 = %while3A_159) -> (i32)  : i32 {
      %mul3A_172 = arith.constant 16 : i32
      %mul3A_173 = arith.muli %while3A_170, %mul3A_172 : i32
      %get3A_174 = arith.index_cast %mul3A_173 : i32 to index
      %get3A_175 = tpu.vector_load %arg15[%get3A_174] {strides = array<i32>} : memref<240xf32, #tpu.memory_space<vmem>>, vector<16xf32>,
      %get3A_176 = arith.index_cast %mul3A_173 : i32 to index
      %get3A_177 = tpu.vector_load %arg16[%get3A_176] {strides = array<i32>} : memref<240xf32, #tpu.memory_space<vmem>>, vector<16xf32>,
      %get3A_178 = arith.index_cast %mul3A_173 : i32 to index
      %get3A_179 = tpu.vector_load %arg17[%get3A_178] {strides = array<i32>} : memref<240xf32, #tpu.memory_space<vmem>>, vector<16xf32>,
      %get3A_180 = arith.index_cast %mul3A_173 : i32 to index
      %get3A_181 = tpu.vector_load %arg18[%get3A_180] {strides = array<i32>} : memref<240xf32, #tpu.memory_space<vmem>>, vector<16xf32>,
      %sub3A_182 = arith.subf %get3A_179, %get3A_175 : vector<16xf32>
      %sub3A_183 = arith.subf %get3A_181, %get3A_177 : vector<16xf32>
      %mul3A_184 = arith.mulf %sub3A_182, %sub3A_183 : vector<16xf32>
      %sub3A_185 = vector.broadcast %reduce_max3A_145 : f32 to vector<16xf32>
      %sub3A_186 = arith.subf %get3A_175, %sub3A_185 : vector<16xf32>
      %add3A_187 = arith.constant 63 : i32
      %add3A_188 = vector.broadcast %add3A_187 : i32 to vector<16xi32>
      %add3A_189 = arith.addi %broadcast_in_dim3A_147, %add3A_188 : vector<16xi32>
      %gather3A_190 = tpu.vector_load_idx %arg23[%add3A_189] : memref<144xf32, #tpu.memory_space<vmem>>[vector<16xi32>], vector<16xf32>,
      %lt3A = arith.cmpf olt, %gather3A_190, %sub3A_186 : vector<16xf32>
      %add3A_191 = arith.constant 64 : i32
      %add3A_192 = vector.broadcast %add3A_191 : i32 to vector<16xi32>
      %add3A_193 = arith.addi %broadcast_in_dim3A_147, %add3A_192 : vector<16xi32>
      %select_n3A_194 = arith.select %lt3A, %add3A_193, %broadcast_in_dim3A_147 : vector<16xi1>, vector<16xi32>
      %add3A_195 = arith.constant 63 : i32
      %add3A_196 = vector.broadcast %add3A_195 : i32 to vector<16xi32>
      %add3A_197 = arith.addi %broadcast_in_dim3A_147, %add3A_196 : vector<16xi32>
      %gather3A_198 = tpu.vector_load_idx %arg23[%add3A_197] : memref<144xf32, #tpu.memory_space<vmem>>[vector<16xi32>], vector<16xf32>,
      %le3A = arith.cmpf ole, %gather3A_198, %get3A_179 : vector<16xf32>
      %add3A_199 = arith.constant 64 : i32
      %add3A_200 = vector.broadcast %add3A_199 : i32 to vector<16xi32>
      %add3A_201 = arith.addi %broadcast_in_dim3A_147, %add3A_200 : vector<16xi32>
      %select_n3A_202 = arith.select %le3A, %add3A_201, %broadcast_in_dim3A_147 : vector<16xi1>, vector<16xi32>
      %add3A_203 = arith.constant 31 : i32
      %add3A_204 = vector.broadcast %add3A_203 : i32 to vector<16xi32>
      %add3A_205 = arith.addi %select_n3A_194, %add3A_204 : vector<16xi32>
      %gather3A_206 = tpu.vector_load_idx %arg23[%add3A_205] : memref<144xf32, #tpu.memory_space<vmem>>[vector<16xi32>], vector<16xf32>,
      %lt3A_207 = arith.cmpf olt, %gather3A_206, %sub3A_186 : vector<16xf32>
      %add3A_208 = arith.constant 32 : i32
      %add3A_209 = vector.broadcast %add3A_208 : i32 to vector<16xi32>
      %add3A_210 = arith.addi %select_n3A_194, %add3A_209 : vector<16xi32>
      %select_n3A_211 = arith.select %lt3A_207, %add3A_210, %select_n3A_194 : vector<16xi1>, vector<16xi32>
      %add3A_212 = arith.constant 31 : i32
      %add3A_213 = vector.broadcast %add3A_212 : i32 to vector<16xi32>
      %add3A_214 = arith.addi %select_n3A_202, %add3A_213 : vector<16xi32>
      %gather3A_215 = tpu.vector_load_idx %arg23[%add3A_214] : memref<144xf32, #tpu.memory_space<vmem>>[vector<16xi32>], vector<16xf32>,
      %le3A_216 = arith.cmpf ole, %gather3A_215, %get3A_179 : vector<16xf32>
      %add3A_217 = arith.constant 32 : i32
      %add3A_218 = vector.broadcast %add3A_217 : i32 to vector<16xi32>
      %add3A_219 = arith.addi %select_n3A_202, %add3A_218 : vector<16xi32>
      %select_n3A_220 = arith.select %le3A_216, %add3A_219, %select_n3A_202 : vector<16xi1>, vector<16xi32>
      %add3A_221 = arith.constant 15 : i32
      %add3A_222 = vector.broadcast %add3A_221 : i32 to vector<16xi32>
      %add3A_223 = arith.addi %select_n3A_211, %add3A_222 : vector<16xi32>
      %gather3A_224 = tpu.vector_load_idx %arg23[%add3A_223] : memref<144xf32, #tpu.memory_space<vmem>>[vector<16xi32>], vector<16xf32>,
      %lt3A_225 = arith.cmpf olt, %gather3A_224, %sub3A_186 : vector<16xf32>
      %add3A_226 = arith.constant 16 : i32
      %add3A_227 = vector.broadcast %add3A_226 : i32 to vector<16xi32>
      %add3A_228 = arith.addi %select_n3A_211, %add3A_227 : vector<16xi32>
      %select_n3A_229 = arith.select %lt3A_225, %add3A_228, %select_n3A_211 : vector<16xi1>, vector<16xi32>
      %add3A_230 = arith.constant 15 : i32
      %add3A_231 = vector.broadcast %add3A_230 : i32 to vector<16xi32>
      %add3A_232 = arith.addi %select_n3A_220, %add3A_231 : vector<16xi32>
      %gather3A_233 = tpu.vector_load_idx %arg23[%add3A_232] : memref<144xf32, #tpu.memory_space<vmem>>[vector<16xi32>], vector<16xf32>,
      %le3A_234 = arith.cmpf ole, %gather3A_233, %get3A_179 : vector<16xf32>
      %add3A_235 = arith.constant 16 : i32
      %add3A_236 = vector.broadcast %add3A_235 : i32 to vector<16xi32>
      %add3A_237 = arith.addi %select_n3A_220, %add3A_236 : vector<16xi32>
      %select_n3A_238 = arith.select %le3A_234, %add3A_237, %select_n3A_220 : vector<16xi1>, vector<16xi32>
      %add3A_239 = arith.constant 7 : i32
      %add3A_240 = vector.broadcast %add3A_239 : i32 to vector<16xi32>
      %add3A_241 = arith.addi %select_n3A_229, %add3A_240 : vector<16xi32>
      %gather3A_242 = tpu.vector_load_idx %arg23[%add3A_241] : memref<144xf32, #tpu.memory_space<vmem>>[vector<16xi32>], vector<16xf32>,
      %lt3A_243 = arith.cmpf olt, %gather3A_242, %sub3A_186 : vector<16xf32>
      %add3A_244 = arith.constant 8 : i32
      %add3A_245 = vector.broadcast %add3A_244 : i32 to vector<16xi32>
      %add3A_246 = arith.addi %select_n3A_229, %add3A_245 : vector<16xi32>
      %select_n3A_247 = arith.select %lt3A_243, %add3A_246, %select_n3A_229 : vector<16xi1>, vector<16xi32>
      %add3A_248 = arith.constant 7 : i32
      %add3A_249 = vector.broadcast %add3A_248 : i32 to vector<16xi32>
      %add3A_250 = arith.addi %select_n3A_238, %add3A_249 : vector<16xi32>
      %gather3A_251 = tpu.vector_load_idx %arg23[%add3A_250] : memref<144xf32, #tpu.memory_space<vmem>>[vector<16xi32>], vector<16xf32>,
      %le3A_252 = arith.cmpf ole, %gather3A_251, %get3A_179 : vector<16xf32>
      %add3A_253 = arith.constant 8 : i32
      %add3A_254 = vector.broadcast %add3A_253 : i32 to vector<16xi32>
      %add3A_255 = arith.addi %select_n3A_238, %add3A_254 : vector<16xi32>
      %select_n3A_256 = arith.select %le3A_252, %add3A_255, %select_n3A_238 : vector<16xi1>, vector<16xi32>
      %add3A_257 = arith.constant 3 : i32
      %add3A_258 = vector.broadcast %add3A_257 : i32 to vector<16xi32>
      %add3A_259 = arith.addi %select_n3A_247, %add3A_258 : vector<16xi32>
      %gather3A_260 = tpu.vector_load_idx %arg23[%add3A_259] : memref<144xf32, #tpu.memory_space<vmem>>[vector<16xi32>], vector<16xf32>,
      %lt3A_261 = arith.cmpf olt, %gather3A_260, %sub3A_186 : vector<16xf32>
      %add3A_262 = arith.constant 4 : i32
      %add3A_263 = vector.broadcast %add3A_262 : i32 to vector<16xi32>
      %add3A_264 = arith.addi %select_n3A_247, %add3A_263 : vector<16xi32>
      %select_n3A_265 = arith.select %lt3A_261, %add3A_264, %select_n3A_247 : vector<16xi1>, vector<16xi32>
      %add3A_266 = arith.constant 3 : i32
      %add3A_267 = vector.broadcast %add3A_266 : i32 to vector<16xi32>
      %add3A_268 = arith.addi %select_n3A_256, %add3A_267 : vector<16xi32>
      %gather3A_269 = tpu.vector_load_idx %arg23[%add3A_268] : memref<144xf32, #tpu.memory_space<vmem>>[vector<16xi32>], vector<16xf32>,
      %le3A_270 = arith.cmpf ole, %gather3A_269, %get3A_179 : vector<16xf32>
      %add3A_271 = arith.constant 4 : i32
      %add3A_272 = vector.broadcast %add3A_271 : i32 to vector<16xi32>
      %add3A_273 = arith.addi %select_n3A_256, %add3A_272 : vector<16xi32>
      %select_n3A_274 = arith.select %le3A_270, %add3A_273, %select_n3A_256 : vector<16xi1>, vector<16xi32>
      %add3A_275 = arith.constant 1 : i32
      %add3A_276 = vector.broadcast %add3A_275 : i32 to vector<16xi32>
      %add3A_277 = arith.addi %select_n3A_265, %add3A_276 : vector<16xi32>
      %gather3A_278 = tpu.vector_load_idx %arg23[%add3A_277] : memref<144xf32, #tpu.memory_space<vmem>>[vector<16xi32>], vector<16xf32>,
      %lt3A_279 = arith.cmpf olt, %gather3A_278, %sub3A_186 : vector<16xf32>
      %add3A_280 = arith.constant 2 : i32
      %add3A_281 = vector.broadcast %add3A_280 : i32 to vector<16xi32>
      %add3A_282 = arith.addi %select_n3A_265, %add3A_281 : vector<16xi32>
      %select_n3A_283 = arith.select %lt3A_279, %add3A_282, %select_n3A_265 : vector<16xi1>, vector<16xi32>
      %add3A_284 = arith.constant 1 : i32
      %add3A_285 = vector.broadcast %add3A_284 : i32 to vector<16xi32>
      %add3A_286 = arith.addi %select_n3A_274, %add3A_285 : vector<16xi32>
      %gather3A_287 = tpu.vector_load_idx %arg23[%add3A_286] : memref<144xf32, #tpu.memory_space<vmem>>[vector<16xi32>], vector<16xf32>,
      %le3A_288 = arith.cmpf ole, %gather3A_287, %get3A_179 : vector<16xf32>
      %add3A_289 = arith.constant 2 : i32
      %add3A_290 = vector.broadcast %add3A_289 : i32 to vector<16xi32>
      %add3A_291 = arith.addi %select_n3A_274, %add3A_290 : vector<16xi32>
      %select_n3A_292 = arith.select %le3A_288, %add3A_291, %select_n3A_274 : vector<16xi1>, vector<16xi32>
      %add3A_293 = arith.constant 0 : i32
      %add3A_294 = vector.broadcast %add3A_293 : i32 to vector<16xi32>
      %add3A_295 = arith.addi %select_n3A_283, %add3A_294 : vector<16xi32>
      %gather3A_296 = tpu.vector_load_idx %arg23[%add3A_295] : memref<144xf32, #tpu.memory_space<vmem>>[vector<16xi32>], vector<16xf32>,
      %lt3A_297 = arith.cmpf olt, %gather3A_296, %sub3A_186 : vector<16xf32>
      %add3A_298 = arith.constant 1 : i32
      %add3A_299 = vector.broadcast %add3A_298 : i32 to vector<16xi32>
      %add3A_300 = arith.addi %select_n3A_283, %add3A_299 : vector<16xi32>
      %select_n3A_301 = arith.select %lt3A_297, %add3A_300, %select_n3A_283 : vector<16xi1>, vector<16xi32>
      %add3A_302 = arith.constant 0 : i32
      %add3A_303 = vector.broadcast %add3A_302 : i32 to vector<16xi32>
      %add3A_304 = arith.addi %select_n3A_292, %add3A_303 : vector<16xi32>
      %gather3A_305 = tpu.vector_load_idx %arg23[%add3A_304] : memref<144xf32, #tpu.memory_space<vmem>>[vector<16xi32>], vector<16xf32>,
      %le3A_306 = arith.cmpf ole, %gather3A_305, %get3A_179 : vector<16xf32>
      %add3A_307 = arith.constant 1 : i32
      %add3A_308 = vector.broadcast %add3A_307 : i32 to vector<16xi32>
      %add3A_309 = arith.addi %select_n3A_292, %add3A_308 : vector<16xi32>
      %select_n3A_310 = arith.select %le3A_306, %add3A_309, %select_n3A_292 : vector<16xi1>, vector<16xi32>
      %gather3A_311 = tpu.vector_load_idx %arg23[%select_n3A_301] : memref<144xf32, #tpu.memory_space<vmem>>[vector<16xi32>], vector<16xf32>,
      %lt3A_312 = arith.cmpf olt, %gather3A_311, %sub3A_186 : vector<16xf32>
      %add3A_313 = arith.constant 1 : i32
      %add3A_314 = vector.broadcast %add3A_313 : i32 to vector<16xi32>
      %add3A_315 = arith.addi %select_n3A_301, %add3A_314 : vector<16xi32>
      %select_n3A_316 = arith.select %lt3A_312, %add3A_315, %select_n3A_301 : vector<16xi1>, vector<16xi32>
      %gather3A_317 = tpu.vector_load_idx %arg23[%select_n3A_310] : memref<144xf32, #tpu.memory_space<vmem>>[vector<16xi32>], vector<16xf32>,
      %le3A_318 = arith.cmpf ole, %gather3A_317, %get3A_179 : vector<16xf32>
      %add3A_319 = arith.constant 1 : i32
      %add3A_320 = vector.broadcast %add3A_319 : i32 to vector<16xi32>
      %add3A_321 = arith.addi %select_n3A_310, %add3A_320 : vector<16xi32>
      %select_n3A_322 = arith.select %le3A_318, %add3A_321, %select_n3A_310 : vector<16xi1>, vector<16xi32>
      %sub3A_323 = arith.subi %select_n3A_322, %select_n3A_316 : vector<16xi32>
      %reduce_max3A_324 = arith.constant true
      %reduce_max3A_325 = vector.broadcast %reduce_max3A_324 : i1 to vector<16xi1>
      %reduce_max3A_326 = arith.constant -2147483648 : i32
      %reduce_max3A_327 = vector.broadcast %reduce_max3A_326 : i32 to vector<16xi32>
      %reduce_max3A_328 = arith.xori %sub3A_323, %reduce_max3A_327 : vector<16xi32>
      %reduce_max3A_329 = tpu.scan <max>, %reduce_max3A_328 masked %reduce_max3A_325 : vector<16xi32>, vector<16xi1> -> vector<16xi32>
      %reduce_max3A_330 = arith.xori %reduce_max3A_329, %reduce_max3A_327 : vector<16xi32>
      %reduce_max3A_331 = vector.extract %reduce_max3A_330[15] : i32 from vector<16xi32>
      %broadcast_in_dim3A_332 = arith.constant 128 : i32
      %broadcast_in_dim3A_333 = vector.broadcast %broadcast_in_dim3A_332 : i32 to vector<16xi32>
      %parallel_loop3A = arith.constant 0 : i32
      %parallel_loop3A_334 = arith.constant 1 : i32
      %parallel_loop3A_335:2 = scf.for %parallel_loop3A_350 = %parallel_loop3A to %reduce_max3A_331 step %parallel_loop3A_334 iter_args(%parallel_loop3A_351 = %broadcast_in_dim3A_149, %parallel_loop3A_352 = %broadcast_in_dim3A_147) -> (vector<16xf32>, vector<16xi32>)  : i32 {
        %parallel_loop3A_353 = vector.broadcast %parallel_loop3A_350 : i32 to vector<16xi32>
        %parallel_loop3A_354 = arith.addi %select_n3A_316, %parallel_loop3A_353 : vector<16xi32>
        %parallel_loop3A_355 = arith.minsi %parallel_loop3A_354, %broadcast_in_dim3A_333 : vector<16xi32>
        %parallel_loop3A_356 = tpu.vector_load_idx %arg23[%parallel_loop3A_355] : memref<144xf32, #tpu.memory_space<vmem>>[vector<16xi32>], vector<16xf32>,
        %parallel_loop3A_357 = tpu.vector_load_idx %arg24[%parallel_loop3A_355] : memref<144xf32, #tpu.memory_space<vmem>>[vector<16xi32>], vector<16xf32>,
        %parallel_loop3A_358 = tpu.vector_load_idx %arg25[%parallel_loop3A_355] : memref<144xf32, #tpu.memory_space<vmem>>[vector<16xi32>], vector<16xf32>,
        %parallel_loop3A_359 = tpu.vector_load_idx %arg26[%parallel_loop3A_355] : memref<144xf32, #tpu.memory_space<vmem>>[vector<16xi32>], vector<16xf32>,
        %parallel_loop3A_360 = arith.subf %parallel_loop3A_358, %parallel_loop3A_356 : vector<16xf32>
        %parallel_loop3A_361 = arith.subf %parallel_loop3A_359, %parallel_loop3A_357 : vector<16xf32>
        %parallel_loop3A_362 = arith.mulf %parallel_loop3A_360, %parallel_loop3A_361 : vector<16xf32>
        %parallel_loop3A_363 = arith.minimumf %get3A_179, %parallel_loop3A_358 : vector<16xf32>
        %parallel_loop3A_364 = arith.maximumf %get3A_175, %parallel_loop3A_356 : vector<16xf32>
        %parallel_loop3A_365 = arith.subf %parallel_loop3A_363, %parallel_loop3A_364 : vector<16xf32>
        %parallel_loop3A_366 = arith.constant 0.000000e+00 : f32
        %parallel_loop3A_367 = vector.broadcast %parallel_loop3A_366 : f32 to vector<16xf32>
        %parallel_loop3A_368 = arith.maximumf %parallel_loop3A_365, %parallel_loop3A_367 : vector<16xf32>
        %parallel_loop3A_369 = arith.minimumf %get3A_181, %parallel_loop3A_359 : vector<16xf32>
        %parallel_loop3A_370 = arith.maximumf %get3A_177, %parallel_loop3A_357 : vector<16xf32>
        %parallel_loop3A_371 = arith.subf %parallel_loop3A_369, %parallel_loop3A_370 : vector<16xf32>
        %parallel_loop3A_372 = arith.constant 0.000000e+00 : f32
        %parallel_loop3A_373 = vector.broadcast %parallel_loop3A_372 : f32 to vector<16xf32>
        %parallel_loop3A_374 = arith.maximumf %parallel_loop3A_371, %parallel_loop3A_373 : vector<16xf32>
        %parallel_loop3A_375 = arith.mulf %parallel_loop3A_368, %parallel_loop3A_374 : vector<16xf32>
        %parallel_loop3A_376 = arith.addf %mul3A_184, %parallel_loop3A_362 : vector<16xf32>
        %parallel_loop3A_377 = arith.subf %parallel_loop3A_376, %parallel_loop3A_375 : vector<16xf32>
        %parallel_loop3A_378 = arith.divf %parallel_loop3A_375, %parallel_loop3A_377 : vector<16xf32>
        %parallel_loop3A_379 = arith.cmpf ogt, %parallel_loop3A_378, %parallel_loop3A_351 : vector<16xf32>
        %parallel_loop3A_380 = arith.select %parallel_loop3A_379, %parallel_loop3A_378, %parallel_loop3A_351 : vector<16xi1>, vector<16xf32>
        %parallel_loop3A_381 = arith.select %parallel_loop3A_379, %parallel_loop3A_355, %parallel_loop3A_352 : vector<16xi1>, vector<16xi32>
        scf.yield %parallel_loop3A_380, %parallel_loop3A_381 : vector<16xf32>, vector<16xi32>
      } {sc.loop_unroll_factor = 4 : i64, sc.parallel_access}
      %lt3A_336 = arith.constant 5.000000e-01 : f32
      %lt3A_337 = vector.broadcast %lt3A_336 : f32 to vector<16xf32>
      %lt3A_338 = arith.cmpf olt, %parallel_loop3A_335#0, %lt3A_337 : vector<16xf32>
      %gather3A_339 = tpu.vector_load_idx %arg27[%parallel_loop3A_335#1] : memref<128xi32, #tpu.memory_space<vmem>>[vector<16xi32>], vector<16xi32>,
      %gather3A_340 = tpu.vector_load_idx %arg28[%gather3A_339] : memref<128xi32, #tpu.memory_space<vmem>>[vector<16xi32>], vector<16xi32>,
      %select_n3A_341 = arith.select %lt3A_338, %broadcast_in_dim3A_147, %gather3A_339 : vector<16xi1>, vector<16xi32>
      %select_n3A_342 = arith.select %lt3A_338, %broadcast_in_dim3A_147, %gather3A_340 : vector<16xi1>, vector<16xi32>
      %swap3A_343 = arith.index_cast %mul3A_173 : i32 to index
      %swap3A_344 = tpu.vector_load %arg30[%swap3A_343] {strides = array<i32>} : memref<240xf32, #tpu.memory_space<vmem>>, vector<16xf32>,
      tpu.vector_store %arg30[%swap3A_343], %parallel_loop3A_335#0 {strides = array<i32>} : memref<240xf32, #tpu.memory_space<vmem>>, vector<16xf32>,
      %swap3A_345 = arith.index_cast %mul3A_173 : i32 to index
      %swap3A_346 = tpu.vector_load %arg31[%swap3A_345] {strides = array<i32>} : memref<240xi32, #tpu.memory_space<vmem>>, vector<16xi32>,
      tpu.vector_store %arg31[%swap3A_345], %select_n3A_341 {strides = array<i32>} : memref<240xi32, #tpu.memory_space<vmem>>, vector<16xi32>,
      %swap3A_347 = arith.index_cast %mul3A_173 : i32 to index
      %swap3A_348 = tpu.vector_load %arg29[%swap3A_347] {strides = array<i32>} : memref<240xi32, #tpu.memory_space<vmem>>, vector<16xi32>,
      tpu.vector_store %arg29[%swap3A_347], %select_n3A_342 {strides = array<i32>} : memref<240xi32, #tpu.memory_space<vmem>>, vector<16xi32>,
      %while3A_349 = arith.constant 0 : i32
      scf.yield %while3A_349 : i32
    }
    %not3A_162 = arith.constant true
    %not3A_163 = arith.xori %eq3A_3, %not3A_162 : i1
    %convert_element_type3A_164 = arith.extui %not3A_163 : i1 to i32
    %cond3A_165 = arith.constant 0 : i32
    %cond3A_166 = arith.cmpi ne, %convert_element_type3A_164, %cond3A_165 : i32
    scf.if %cond3A_166 {
      "tpu.region"() ({
        %run_scoped3A = tpu.sem_alloc : memref<!tpu.dma_semaphore, #tpu.memory_space<semaphore_mem>>
        %dma_start3A = arith.constant 0 : i32
        %dma_start3A_170 = tpu.memref_slice %arg29[%dma_start3A] : memref<240xi32, #tpu.memory_space<vmem>> -> memref<208xi32, #tpu.memory_space<vmem>>
        %dma_start3A_171 = tpu.memref_slice %arg12[%mul3A_2] : memref<6688xi32, #tpu.memory_space<hbm>> -> memref<208xi32, #tpu.memory_space<hbm>>
        %dma_start3A_172 = tpu.memref_slice %arg12[%mul3A_2] : memref<6688xi32, #tpu.memory_space<hbm>> -> memref<208xi32, #tpu.memory_space<hbm>>
        %dma_start3A_173 = arith.constant 0 : i32
        %dma_start3A_174 = tpu.memref_slice %arg29[%dma_start3A_173] : memref<240xi32, #tpu.memory_space<vmem>> -> memref<208xi32, #tpu.memory_space<vmem>>
        tpu.enqueue_dma source(%dma_start3A_174 : memref<208xi32, #tpu.memory_space<vmem>>) target(%dma_start3A_172 : memref<208xi32, #tpu.memory_space<hbm>>) target_semaphore(%run_scoped3A : memref<!tpu.dma_semaphore, #tpu.memory_space<semaphore_mem>>)
        %dma_wait3A = arith.constant 0 : i32
        %dma_wait3A_175 = tpu.memref_slice %arg29[%dma_wait3A] : memref<240xi32, #tpu.memory_space<vmem>> -> memref<208xi32, #tpu.memory_space<vmem>>
        %dma_wait3A_176 = tpu.memref_slice %arg12[%mul3A_2] : memref<6688xi32, #tpu.memory_space<hbm>> -> memref<208xi32, #tpu.memory_space<hbm>>
        %dma_wait3A_177 = tpu.memref_slice %arg12[%mul3A_2] : memref<6688xi32, #tpu.memory_space<hbm>> -> memref<208xi32, #tpu.memory_space<hbm>>
        %dma_wait3A_178 = arith.constant 0 : i32
        %dma_wait3A_179 = tpu.memref_slice %arg29[%dma_wait3A_178] : memref<240xi32, #tpu.memory_space<vmem>> -> memref<208xi32, #tpu.memory_space<vmem>>
        tpu.wait_dma2 semaphore(%run_scoped3A : memref<!tpu.dma_semaphore, #tpu.memory_space<semaphore_mem>>) src(%dma_wait3A_179 : memref<208xi32, #tpu.memory_space<vmem>>) dst(%dma_wait3A_177 : memref<208xi32, #tpu.memory_space<hbm>>)
        tpu.yield
      }) : () -> ()
      "tpu.region"() ({
        %run_scoped3A = tpu.sem_alloc : memref<!tpu.dma_semaphore, #tpu.memory_space<semaphore_mem>>
        %dma_start3A = arith.constant 0 : i32
        %dma_start3A_170 = tpu.memref_slice %arg30[%dma_start3A] : memref<240xf32, #tpu.memory_space<vmem>> -> memref<208xf32, #tpu.memory_space<vmem>>
        %dma_start3A_171 = tpu.memref_slice %arg13[%mul3A_2] : memref<6688xf32, #tpu.memory_space<hbm>> -> memref<208xf32, #tpu.memory_space<hbm>>
        %dma_start3A_172 = tpu.memref_slice %arg13[%mul3A_2] : memref<6688xf32, #tpu.memory_space<hbm>> -> memref<208xf32, #tpu.memory_space<hbm>>
        %dma_start3A_173 = arith.constant 0 : i32
        %dma_start3A_174 = tpu.memref_slice %arg30[%dma_start3A_173] : memref<240xf32, #tpu.memory_space<vmem>> -> memref<208xf32, #tpu.memory_space<vmem>>
        tpu.enqueue_dma source(%dma_start3A_174 : memref<208xf32, #tpu.memory_space<vmem>>) target(%dma_start3A_172 : memref<208xf32, #tpu.memory_space<hbm>>) target_semaphore(%run_scoped3A : memref<!tpu.dma_semaphore, #tpu.memory_space<semaphore_mem>>)
        %dma_wait3A = arith.constant 0 : i32
        %dma_wait3A_175 = tpu.memref_slice %arg30[%dma_wait3A] : memref<240xf32, #tpu.memory_space<vmem>> -> memref<208xf32, #tpu.memory_space<vmem>>
        %dma_wait3A_176 = tpu.memref_slice %arg13[%mul3A_2] : memref<6688xf32, #tpu.memory_space<hbm>> -> memref<208xf32, #tpu.memory_space<hbm>>
        %dma_wait3A_177 = tpu.memref_slice %arg13[%mul3A_2] : memref<6688xf32, #tpu.memory_space<hbm>> -> memref<208xf32, #tpu.memory_space<hbm>>
        %dma_wait3A_178 = arith.constant 0 : i32
        %dma_wait3A_179 = tpu.memref_slice %arg30[%dma_wait3A_178] : memref<240xf32, #tpu.memory_space<vmem>> -> memref<208xf32, #tpu.memory_space<vmem>>
        tpu.wait_dma2 semaphore(%run_scoped3A : memref<!tpu.dma_semaphore, #tpu.memory_space<semaphore_mem>>) src(%dma_wait3A_179 : memref<208xf32, #tpu.memory_space<vmem>>) dst(%dma_wait3A_177 : memref<208xf32, #tpu.memory_space<hbm>>)
        tpu.yield
      }) : () -> ()
      "tpu.region"() ({
        %run_scoped3A = tpu.sem_alloc : memref<!tpu.dma_semaphore, #tpu.memory_space<semaphore_mem>>
        %dma_start3A = arith.constant 0 : i32
        %dma_start3A_170 = tpu.memref_slice %arg31[%dma_start3A] : memref<240xi32, #tpu.memory_space<vmem>> -> memref<208xi32, #tpu.memory_space<vmem>>
        %dma_start3A_171 = tpu.memref_slice %arg14[%mul3A_2] : memref<6688xi32, #tpu.memory_space<hbm>> -> memref<208xi32, #tpu.memory_space<hbm>>
        %dma_start3A_172 = tpu.memref_slice %arg14[%mul3A_2] : memref<6688xi32, #tpu.memory_space<hbm>> -> memref<208xi32, #tpu.memory_space<hbm>>
        %dma_start3A_173 = arith.constant 0 : i32
        %dma_start3A_174 = tpu.memref_slice %arg31[%dma_start3A_173] : memref<240xi32, #tpu.memory_space<vmem>> -> memref<208xi32, #tpu.memory_space<vmem>>
        tpu.enqueue_dma source(%dma_start3A_174 : memref<208xi32, #tpu.memory_space<vmem>>) target(%dma_start3A_172 : memref<208xi32, #tpu.memory_space<hbm>>) target_semaphore(%run_scoped3A : memref<!tpu.dma_semaphore, #tpu.memory_space<semaphore_mem>>)
        %dma_wait3A = arith.constant 0 : i32
        %dma_wait3A_175 = tpu.memref_slice %arg31[%dma_wait3A] : memref<240xi32, #tpu.memory_space<vmem>> -> memref<208xi32, #tpu.memory_space<vmem>>
        %dma_wait3A_176 = tpu.memref_slice %arg14[%mul3A_2] : memref<6688xi32, #tpu.memory_space<hbm>> -> memref<208xi32, #tpu.memory_space<hbm>>
        %dma_wait3A_177 = tpu.memref_slice %arg14[%mul3A_2] : memref<6688xi32, #tpu.memory_space<hbm>> -> memref<208xi32, #tpu.memory_space<hbm>>
        %dma_wait3A_178 = arith.constant 0 : i32
        %dma_wait3A_179 = tpu.memref_slice %arg31[%dma_wait3A_178] : memref<240xi32, #tpu.memory_space<vmem>> -> memref<208xi32, #tpu.memory_space<vmem>>
        tpu.wait_dma2 semaphore(%run_scoped3A : memref<!tpu.dma_semaphore, #tpu.memory_space<semaphore_mem>>) src(%dma_wait3A_179 : memref<208xi32, #tpu.memory_space<vmem>>) dst(%dma_wait3A_177 : memref<208xi32, #tpu.memory_space<hbm>>)
        tpu.yield
      }) : () -> ()
    } else {
    }
    %convert_element_type3A_167 = arith.extui %eq3A_3 : i1 to i32
    %cond3A_168 = arith.constant 0 : i32
    %cond3A_169 = arith.cmpi ne, %convert_element_type3A_167, %cond3A_168 : i32
    scf.if %cond3A_169 {
      "tpu.region"() ({
        %run_scoped3A = tpu.sem_alloc : memref<!tpu.dma_semaphore, #tpu.memory_space<semaphore_mem>>
        %dma_start3A = arith.constant 0 : i32
        %dma_start3A_170 = tpu.memref_slice %arg29[%dma_start3A] : memref<240xi32, #tpu.memory_space<vmem>> -> memref<240xi32, #tpu.memory_space<vmem>>
        %dma_start3A_171 = tpu.memref_slice %arg12[%mul3A_2] : memref<6688xi32, #tpu.memory_space<hbm>> -> memref<240xi32, #tpu.memory_space<hbm>>
        %dma_start3A_172 = tpu.memref_slice %arg12[%mul3A_2] : memref<6688xi32, #tpu.memory_space<hbm>> -> memref<240xi32, #tpu.memory_space<hbm>>
        %dma_start3A_173 = arith.constant 0 : i32
        %dma_start3A_174 = tpu.memref_slice %arg29[%dma_start3A_173] : memref<240xi32, #tpu.memory_space<vmem>> -> memref<240xi32, #tpu.memory_space<vmem>>
        tpu.enqueue_dma source(%dma_start3A_174 : memref<240xi32, #tpu.memory_space<vmem>>) target(%dma_start3A_172 : memref<240xi32, #tpu.memory_space<hbm>>) target_semaphore(%run_scoped3A : memref<!tpu.dma_semaphore, #tpu.memory_space<semaphore_mem>>)
        %dma_wait3A = arith.constant 0 : i32
        %dma_wait3A_175 = tpu.memref_slice %arg29[%dma_wait3A] : memref<240xi32, #tpu.memory_space<vmem>> -> memref<240xi32, #tpu.memory_space<vmem>>
        %dma_wait3A_176 = tpu.memref_slice %arg12[%mul3A_2] : memref<6688xi32, #tpu.memory_space<hbm>> -> memref<240xi32, #tpu.memory_space<hbm>>
        %dma_wait3A_177 = tpu.memref_slice %arg12[%mul3A_2] : memref<6688xi32, #tpu.memory_space<hbm>> -> memref<240xi32, #tpu.memory_space<hbm>>
        %dma_wait3A_178 = arith.constant 0 : i32
        %dma_wait3A_179 = tpu.memref_slice %arg29[%dma_wait3A_178] : memref<240xi32, #tpu.memory_space<vmem>> -> memref<240xi32, #tpu.memory_space<vmem>>
        tpu.wait_dma2 semaphore(%run_scoped3A : memref<!tpu.dma_semaphore, #tpu.memory_space<semaphore_mem>>) src(%dma_wait3A_179 : memref<240xi32, #tpu.memory_space<vmem>>) dst(%dma_wait3A_177 : memref<240xi32, #tpu.memory_space<hbm>>)
        tpu.yield
      }) : () -> ()
      "tpu.region"() ({
        %run_scoped3A = tpu.sem_alloc : memref<!tpu.dma_semaphore, #tpu.memory_space<semaphore_mem>>
        %dma_start3A = arith.constant 0 : i32
        %dma_start3A_170 = tpu.memref_slice %arg30[%dma_start3A] : memref<240xf32, #tpu.memory_space<vmem>> -> memref<240xf32, #tpu.memory_space<vmem>>
        %dma_start3A_171 = tpu.memref_slice %arg13[%mul3A_2] : memref<6688xf32, #tpu.memory_space<hbm>> -> memref<240xf32, #tpu.memory_space<hbm>>
        %dma_start3A_172 = tpu.memref_slice %arg13[%mul3A_2] : memref<6688xf32, #tpu.memory_space<hbm>> -> memref<240xf32, #tpu.memory_space<hbm>>
        %dma_start3A_173 = arith.constant 0 : i32
        %dma_start3A_174 = tpu.memref_slice %arg30[%dma_start3A_173] : memref<240xf32, #tpu.memory_space<vmem>> -> memref<240xf32, #tpu.memory_space<vmem>>
        tpu.enqueue_dma source(%dma_start3A_174 : memref<240xf32, #tpu.memory_space<vmem>>) target(%dma_start3A_172 : memref<240xf32, #tpu.memory_space<hbm>>) target_semaphore(%run_scoped3A : memref<!tpu.dma_semaphore, #tpu.memory_space<semaphore_mem>>)
        %dma_wait3A = arith.constant 0 : i32
        %dma_wait3A_175 = tpu.memref_slice %arg30[%dma_wait3A] : memref<240xf32, #tpu.memory_space<vmem>> -> memref<240xf32, #tpu.memory_space<vmem>>
        %dma_wait3A_176 = tpu.memref_slice %arg13[%mul3A_2] : memref<6688xf32, #tpu.memory_space<hbm>> -> memref<240xf32, #tpu.memory_space<hbm>>
        %dma_wait3A_177 = tpu.memref_slice %arg13[%mul3A_2] : memref<6688xf32, #tpu.memory_space<hbm>> -> memref<240xf32, #tpu.memory_space<hbm>>
        %dma_wait3A_178 = arith.constant 0 : i32
        %dma_wait3A_179 = tpu.memref_slice %arg30[%dma_wait3A_178] : memref<240xf32, #tpu.memory_space<vmem>> -> memref<240xf32, #tpu.memory_space<vmem>>
        tpu.wait_dma2 semaphore(%run_scoped3A : memref<!tpu.dma_semaphore, #tpu.memory_space<semaphore_mem>>) src(%dma_wait3A_179 : memref<240xf32, #tpu.memory_space<vmem>>) dst(%dma_wait3A_177 : memref<240xf32, #tpu.memory_space<hbm>>)
        tpu.yield
      }) : () -> ()
      "tpu.region"() ({
        %run_scoped3A = tpu.sem_alloc : memref<!tpu.dma_semaphore, #tpu.memory_space<semaphore_mem>>
        %dma_start3A = arith.constant 0 : i32
        %dma_start3A_170 = tpu.memref_slice %arg31[%dma_start3A] : memref<240xi32, #tpu.memory_space<vmem>> -> memref<240xi32, #tpu.memory_space<vmem>>
        %dma_start3A_171 = tpu.memref_slice %arg14[%mul3A_2] : memref<6688xi32, #tpu.memory_space<hbm>> -> memref<240xi32, #tpu.memory_space<hbm>>
        %dma_start3A_172 = tpu.memref_slice %arg14[%mul3A_2] : memref<6688xi32, #tpu.memory_space<hbm>> -> memref<240xi32, #tpu.memory_space<hbm>>
        %dma_start3A_173 = arith.constant 0 : i32
        %dma_start3A_174 = tpu.memref_slice %arg31[%dma_start3A_173] : memref<240xi32, #tpu.memory_space<vmem>> -> memref<240xi32, #tpu.memory_space<vmem>>
        tpu.enqueue_dma source(%dma_start3A_174 : memref<240xi32, #tpu.memory_space<vmem>>) target(%dma_start3A_172 : memref<240xi32, #tpu.memory_space<hbm>>) target_semaphore(%run_scoped3A : memref<!tpu.dma_semaphore, #tpu.memory_space<semaphore_mem>>)
        %dma_wait3A = arith.constant 0 : i32
        %dma_wait3A_175 = tpu.memref_slice %arg31[%dma_wait3A] : memref<240xi32, #tpu.memory_space<vmem>> -> memref<240xi32, #tpu.memory_space<vmem>>
        %dma_wait3A_176 = tpu.memref_slice %arg14[%mul3A_2] : memref<6688xi32, #tpu.memory_space<hbm>> -> memref<240xi32, #tpu.memory_space<hbm>>
        %dma_wait3A_177 = tpu.memref_slice %arg14[%mul3A_2] : memref<6688xi32, #tpu.memory_space<hbm>> -> memref<240xi32, #tpu.memory_space<hbm>>
        %dma_wait3A_178 = arith.constant 0 : i32
        %dma_wait3A_179 = tpu.memref_slice %arg31[%dma_wait3A_178] : memref<240xi32, #tpu.memory_space<vmem>> -> memref<240xi32, #tpu.memory_space<vmem>>
        tpu.wait_dma2 semaphore(%run_scoped3A : memref<!tpu.dma_semaphore, #tpu.memory_space<semaphore_mem>>) src(%dma_wait3A_179 : memref<240xi32, #tpu.memory_space<vmem>>) dst(%dma_wait3A_177 : memref<240xi32, #tpu.memory_space<hbm>>)
        tpu.yield
      }) : () -> ()
    } else {
    }
    return
  }
}

module attributes {stable_mosaic.version = 14 : i64} {
  func.func @body(%arg0: i32, %arg1: memref<8x128xf32, #tpu.memory_space<vmem>>, %arg2: memref<8x128xf32, #tpu.memory_space<vmem>>, %arg3: memref<8x128xf32, #tpu.memory_space<vmem>>, %arg4: memref<8x128xf32, #tpu.memory_space<vmem>>, %arg5: memref<128xf32, #tpu.memory_space<smem>>, %arg6: memref<128xf32, #tpu.memory_space<smem>>, %arg7: memref<128xf32, #tpu.memory_space<smem>>, %arg8: memref<128xf32, #tpu.memory_space<smem>>, %arg9: memref<128xi32, #tpu.memory_space<smem>>, %arg10: memref<8x128xf32, #tpu.memory_space<vmem>>, %arg11: memref<8x128xi32, #tpu.memory_space<vmem>>, %arg12: memref<8x128xi32, #tpu.memory_space<vmem>>) attributes {dimension_semantics = [#tpu.dimension_semantics<arbitrary>], iteration_bounds = array<i64: 13>, scalar_prefetch = 0 : i64, scratch_operands = 0 : i64, tpu.core_type = #tpu.core_type<tc>, window_params = [{transform_indices = @transform_0, window_bounds = array<i64: 8, 128>}, {transform_indices = @transform_1, window_bounds = array<i64: 8, 128>}, {transform_indices = @transform_2, window_bounds = array<i64: 8, 128>}, {transform_indices = @transform_3, window_bounds = array<i64: 8, 128>}, {transform_indices = @transform_4, window_bounds = array<i64: 128>}, {transform_indices = @transform_5, window_bounds = array<i64: 128>}, {transform_indices = @transform_6, window_bounds = array<i64: 128>}, {transform_indices = @transform_7, window_bounds = array<i64: 128>}, {transform_indices = @transform_8, window_bounds = array<i64: 128>}, {transform_indices = @transform_9, window_bounds = array<i64: 8, 128>}, {transform_indices = @transform_10, window_bounds = array<i64: 8, 128>}, {transform_indices = @transform_11, window_bounds = array<i64: 8, 128>}]} {
    %get3A = arith.constant 0 : index
    %get3A_0 = arith.constant 0 : index
    %get3A_1 = vector.load %arg1[%get3A, %get3A_0] : memref<8x128xf32, #tpu.memory_space<vmem>>, vector<8x128xf32>
    %get3A_2 = arith.constant 0 : index
    %get3A_3 = arith.constant 0 : index
    %get3A_4 = vector.load %arg2[%get3A_2, %get3A_3] : memref<8x128xf32, #tpu.memory_space<vmem>>, vector<8x128xf32>
    %get3A_5 = arith.constant 0 : index
    %get3A_6 = arith.constant 0 : index
    %get3A_7 = vector.load %arg3[%get3A_5, %get3A_6] : memref<8x128xf32, #tpu.memory_space<vmem>>, vector<8x128xf32>
    %get3A_8 = arith.constant 0 : index
    %get3A_9 = arith.constant 0 : index
    %get3A_10 = vector.load %arg4[%get3A_8, %get3A_9] : memref<8x128xf32, #tpu.memory_space<vmem>>, vector<8x128xf32>
    %sub3A = arith.subf %get3A_7, %get3A_1 : vector<8x128xf32>
    %sub3A_11 = arith.subf %get3A_10, %get3A_4 : vector<8x128xf32>
    %mul3A = arith.mulf %sub3A, %sub3A_11 : vector<8x128xf32>
    %broadcast_in_dim3A = arith.constant 0.000000e+00 : f32
    %broadcast_in_dim3A_12 = vector.broadcast %broadcast_in_dim3A : f32 to vector<8x128xf32>
    %broadcast_in_dim3A_13 = arith.constant 0 : i32
    %broadcast_in_dim3A_14 = vector.broadcast %broadcast_in_dim3A_13 : i32 to vector<8x128xi32>
    %scan3A = arith.constant 0 : i32
    %scan3A_15 = arith.constant 128 : i32
    %scan3A_16 = arith.addi %scan3A, %scan3A_15 : i32
    %scan3A_17 = arith.constant 8 : i32
    %scan3A_18:3 = scf.for %scan3A_34 = %scan3A to %scan3A_16 step %scan3A_17 iter_args(%scan3A_35 = %broadcast_in_dim3A_12, %scan3A_36 = %broadcast_in_dim3A_14, %scan3A_37 = %broadcast_in_dim3A_14) -> (vector<8x128xf32>, vector<8x128xi32>, vector<8x128xi32>)  : i32 {
      %get3A_38 = arith.index_cast %scan3A_34 : i32 to index
      %get3A_39 = memref.load %arg5[%get3A_38] : memref<128xf32, #tpu.memory_space<smem>>
      %get3A_40 = arith.index_cast %scan3A_34 : i32 to index
      %get3A_41 = memref.load %arg6[%get3A_40] : memref<128xf32, #tpu.memory_space<smem>>
      %get3A_42 = arith.index_cast %scan3A_34 : i32 to index
      %get3A_43 = memref.load %arg7[%get3A_42] : memref<128xf32, #tpu.memory_space<smem>>
      %get3A_44 = arith.index_cast %scan3A_34 : i32 to index
      %get3A_45 = memref.load %arg8[%get3A_44] : memref<128xf32, #tpu.memory_space<smem>>
      %sub3A_46 = arith.subf %get3A_43, %get3A_39 : f32
      %sub3A_47 = arith.subf %get3A_45, %get3A_41 : f32
      %mul3A_48 = arith.mulf %sub3A_46, %sub3A_47 : f32
      %min3A = vector.broadcast %get3A_43 : f32 to vector<8x128xf32>
      %min3A_49 = arith.minimumf %get3A_7, %min3A : vector<8x128xf32>
      %max3A = vector.broadcast %get3A_39 : f32 to vector<8x128xf32>
      %max3A_50 = arith.maximumf %get3A_1, %max3A : vector<8x128xf32>
      %sub3A_51 = arith.subf %min3A_49, %max3A_50 : vector<8x128xf32>
      %max3A_52 = arith.constant 0.000000e+00 : f32
      %max3A_53 = vector.broadcast %max3A_52 : f32 to vector<8x128xf32>
      %max3A_54 = arith.maximumf %sub3A_51, %max3A_53 : vector<8x128xf32>
      %min3A_55 = vector.broadcast %get3A_45 : f32 to vector<8x128xf32>
      %min3A_56 = arith.minimumf %get3A_10, %min3A_55 : vector<8x128xf32>
      %max3A_57 = vector.broadcast %get3A_41 : f32 to vector<8x128xf32>
      %max3A_58 = arith.maximumf %get3A_4, %max3A_57 : vector<8x128xf32>
      %sub3A_59 = arith.subf %min3A_56, %max3A_58 : vector<8x128xf32>
      %max3A_60 = arith.constant 0.000000e+00 : f32
      %max3A_61 = vector.broadcast %max3A_60 : f32 to vector<8x128xf32>
      %max3A_62 = arith.maximumf %sub3A_59, %max3A_61 : vector<8x128xf32>
      %mul3A_63 = arith.mulf %max3A_54, %max3A_62 : vector<8x128xf32>
      %add3A = vector.broadcast %mul3A_48 : f32 to vector<8x128xf32>
      %add3A_64 = arith.addf %mul3A, %add3A : vector<8x128xf32>
      %sub3A_65 = arith.subf %add3A_64, %mul3A_63 : vector<8x128xf32>
      %div3A = arith.divf %mul3A_63, %sub3A_65 : vector<8x128xf32>
      %gt3A = arith.cmpf ogt, %div3A, %scan3A_35 : vector<8x128xf32>
      %select_n3A_66 = arith.select %gt3A, %div3A, %scan3A_35 : vector<8x128xi1>, vector<8x128xf32>
      %broadcast_in_dim3A_67 = vector.broadcast %scan3A_34 : i32 to vector<8x128xi32>
      %select_n3A_68 = arith.select %gt3A, %broadcast_in_dim3A_67, %scan3A_36 : vector<8x128xi1>, vector<8x128xi32>
      %get3A_69 = arith.index_cast %scan3A_34 : i32 to index
      %get3A_70 = memref.load %arg9[%get3A_69] : memref<128xi32, #tpu.memory_space<smem>>
      %broadcast_in_dim3A_71 = vector.broadcast %get3A_70 : i32 to vector<8x128xi32>
      %select_n3A_72 = arith.select %gt3A, %broadcast_in_dim3A_71, %scan3A_37 : vector<8x128xi1>, vector<8x128xi32>
      %scan3A_73 = arith.constant 1 : i32
      %scan3A_74 = arith.addi %scan3A_34, %scan3A_73 : i32
      %get3A_75 = arith.index_cast %scan3A_74 : i32 to index
      %get3A_76 = memref.load %arg5[%get3A_75] : memref<128xf32, #tpu.memory_space<smem>>
      %get3A_77 = arith.index_cast %scan3A_74 : i32 to index
      %get3A_78 = memref.load %arg6[%get3A_77] : memref<128xf32, #tpu.memory_space<smem>>
      %get3A_79 = arith.index_cast %scan3A_74 : i32 to index
      %get3A_80 = memref.load %arg7[%get3A_79] : memref<128xf32, #tpu.memory_space<smem>>
      %get3A_81 = arith.index_cast %scan3A_74 : i32 to index
      %get3A_82 = memref.load %arg8[%get3A_81] : memref<128xf32, #tpu.memory_space<smem>>
      %sub3A_83 = arith.subf %get3A_80, %get3A_76 : f32
      %sub3A_84 = arith.subf %get3A_82, %get3A_78 : f32
      %mul3A_85 = arith.mulf %sub3A_83, %sub3A_84 : f32
      %min3A_86 = vector.broadcast %get3A_80 : f32 to vector<8x128xf32>
      %min3A_87 = arith.minimumf %get3A_7, %min3A_86 : vector<8x128xf32>
      %max3A_88 = vector.broadcast %get3A_76 : f32 to vector<8x128xf32>
      %max3A_89 = arith.maximumf %get3A_1, %max3A_88 : vector<8x128xf32>
      %sub3A_90 = arith.subf %min3A_87, %max3A_89 : vector<8x128xf32>
      %max3A_91 = arith.constant 0.000000e+00 : f32
      %max3A_92 = vector.broadcast %max3A_91 : f32 to vector<8x128xf32>
      %max3A_93 = arith.maximumf %sub3A_90, %max3A_92 : vector<8x128xf32>
      %min3A_94 = vector.broadcast %get3A_82 : f32 to vector<8x128xf32>
      %min3A_95 = arith.minimumf %get3A_10, %min3A_94 : vector<8x128xf32>
      %max3A_96 = vector.broadcast %get3A_78 : f32 to vector<8x128xf32>
      %max3A_97 = arith.maximumf %get3A_4, %max3A_96 : vector<8x128xf32>
      %sub3A_98 = arith.subf %min3A_95, %max3A_97 : vector<8x128xf32>
      %max3A_99 = arith.constant 0.000000e+00 : f32
      %max3A_100 = vector.broadcast %max3A_99 : f32 to vector<8x128xf32>
      %max3A_101 = arith.maximumf %sub3A_98, %max3A_100 : vector<8x128xf32>
      %mul3A_102 = arith.mulf %max3A_93, %max3A_101 : vector<8x128xf32>
      %add3A_103 = vector.broadcast %mul3A_85 : f32 to vector<8x128xf32>
      %add3A_104 = arith.addf %mul3A, %add3A_103 : vector<8x128xf32>
      %sub3A_105 = arith.subf %add3A_104, %mul3A_102 : vector<8x128xf32>
      %div3A_106 = arith.divf %mul3A_102, %sub3A_105 : vector<8x128xf32>
      %gt3A_107 = arith.cmpf ogt, %div3A_106, %select_n3A_66 : vector<8x128xf32>
      %select_n3A_108 = arith.select %gt3A_107, %div3A_106, %select_n3A_66 : vector<8x128xi1>, vector<8x128xf32>
      %broadcast_in_dim3A_109 = vector.broadcast %scan3A_74 : i32 to vector<8x128xi32>
      %select_n3A_110 = arith.select %gt3A_107, %broadcast_in_dim3A_109, %select_n3A_68 : vector<8x128xi1>, vector<8x128xi32>
      %get3A_111 = arith.index_cast %scan3A_74 : i32 to index
      %get3A_112 = memref.load %arg9[%get3A_111] : memref<128xi32, #tpu.memory_space<smem>>
      %broadcast_in_dim3A_113 = vector.broadcast %get3A_112 : i32 to vector<8x128xi32>
      %select_n3A_114 = arith.select %gt3A_107, %broadcast_in_dim3A_113, %select_n3A_72 : vector<8x128xi1>, vector<8x128xi32>
      %scan3A_115 = arith.constant 2 : i32
      %scan3A_116 = arith.addi %scan3A_34, %scan3A_115 : i32
      %get3A_117 = arith.index_cast %scan3A_116 : i32 to index
      %get3A_118 = memref.load %arg5[%get3A_117] : memref<128xf32, #tpu.memory_space<smem>>
      %get3A_119 = arith.index_cast %scan3A_116 : i32 to index
      %get3A_120 = memref.load %arg6[%get3A_119] : memref<128xf32, #tpu.memory_space<smem>>
      %get3A_121 = arith.index_cast %scan3A_116 : i32 to index
      %get3A_122 = memref.load %arg7[%get3A_121] : memref<128xf32, #tpu.memory_space<smem>>
      %get3A_123 = arith.index_cast %scan3A_116 : i32 to index
      %get3A_124 = memref.load %arg8[%get3A_123] : memref<128xf32, #tpu.memory_space<smem>>
      %sub3A_125 = arith.subf %get3A_122, %get3A_118 : f32
      %sub3A_126 = arith.subf %get3A_124, %get3A_120 : f32
      %mul3A_127 = arith.mulf %sub3A_125, %sub3A_126 : f32
      %min3A_128 = vector.broadcast %get3A_122 : f32 to vector<8x128xf32>
      %min3A_129 = arith.minimumf %get3A_7, %min3A_128 : vector<8x128xf32>
      %max3A_130 = vector.broadcast %get3A_118 : f32 to vector<8x128xf32>
      %max3A_131 = arith.maximumf %get3A_1, %max3A_130 : vector<8x128xf32>
      %sub3A_132 = arith.subf %min3A_129, %max3A_131 : vector<8x128xf32>
      %max3A_133 = arith.constant 0.000000e+00 : f32
      %max3A_134 = vector.broadcast %max3A_133 : f32 to vector<8x128xf32>
      %max3A_135 = arith.maximumf %sub3A_132, %max3A_134 : vector<8x128xf32>
      %min3A_136 = vector.broadcast %get3A_124 : f32 to vector<8x128xf32>
      %min3A_137 = arith.minimumf %get3A_10, %min3A_136 : vector<8x128xf32>
      %max3A_138 = vector.broadcast %get3A_120 : f32 to vector<8x128xf32>
      %max3A_139 = arith.maximumf %get3A_4, %max3A_138 : vector<8x128xf32>
      %sub3A_140 = arith.subf %min3A_137, %max3A_139 : vector<8x128xf32>
      %max3A_141 = arith.constant 0.000000e+00 : f32
      %max3A_142 = vector.broadcast %max3A_141 : f32 to vector<8x128xf32>
      %max3A_143 = arith.maximumf %sub3A_140, %max3A_142 : vector<8x128xf32>
      %mul3A_144 = arith.mulf %max3A_135, %max3A_143 : vector<8x128xf32>
      %add3A_145 = vector.broadcast %mul3A_127 : f32 to vector<8x128xf32>
      %add3A_146 = arith.addf %mul3A, %add3A_145 : vector<8x128xf32>
      %sub3A_147 = arith.subf %add3A_146, %mul3A_144 : vector<8x128xf32>
      %div3A_148 = arith.divf %mul3A_144, %sub3A_147 : vector<8x128xf32>
      %gt3A_149 = arith.cmpf ogt, %div3A_148, %select_n3A_108 : vector<8x128xf32>
      %select_n3A_150 = arith.select %gt3A_149, %div3A_148, %select_n3A_108 : vector<8x128xi1>, vector<8x128xf32>
      %broadcast_in_dim3A_151 = vector.broadcast %scan3A_116 : i32 to vector<8x128xi32>
      %select_n3A_152 = arith.select %gt3A_149, %broadcast_in_dim3A_151, %select_n3A_110 : vector<8x128xi1>, vector<8x128xi32>
      %get3A_153 = arith.index_cast %scan3A_116 : i32 to index
      %get3A_154 = memref.load %arg9[%get3A_153] : memref<128xi32, #tpu.memory_space<smem>>
      %broadcast_in_dim3A_155 = vector.broadcast %get3A_154 : i32 to vector<8x128xi32>
      %select_n3A_156 = arith.select %gt3A_149, %broadcast_in_dim3A_155, %select_n3A_114 : vector<8x128xi1>, vector<8x128xi32>
      %scan3A_157 = arith.constant 3 : i32
      %scan3A_158 = arith.addi %scan3A_34, %scan3A_157 : i32
      %get3A_159 = arith.index_cast %scan3A_158 : i32 to index
      %get3A_160 = memref.load %arg5[%get3A_159] : memref<128xf32, #tpu.memory_space<smem>>
      %get3A_161 = arith.index_cast %scan3A_158 : i32 to index
      %get3A_162 = memref.load %arg6[%get3A_161] : memref<128xf32, #tpu.memory_space<smem>>
      %get3A_163 = arith.index_cast %scan3A_158 : i32 to index
      %get3A_164 = memref.load %arg7[%get3A_163] : memref<128xf32, #tpu.memory_space<smem>>
      %get3A_165 = arith.index_cast %scan3A_158 : i32 to index
      %get3A_166 = memref.load %arg8[%get3A_165] : memref<128xf32, #tpu.memory_space<smem>>
      %sub3A_167 = arith.subf %get3A_164, %get3A_160 : f32
      %sub3A_168 = arith.subf %get3A_166, %get3A_162 : f32
      %mul3A_169 = arith.mulf %sub3A_167, %sub3A_168 : f32
      %min3A_170 = vector.broadcast %get3A_164 : f32 to vector<8x128xf32>
      %min3A_171 = arith.minimumf %get3A_7, %min3A_170 : vector<8x128xf32>
      %max3A_172 = vector.broadcast %get3A_160 : f32 to vector<8x128xf32>
      %max3A_173 = arith.maximumf %get3A_1, %max3A_172 : vector<8x128xf32>
      %sub3A_174 = arith.subf %min3A_171, %max3A_173 : vector<8x128xf32>
      %max3A_175 = arith.constant 0.000000e+00 : f32
      %max3A_176 = vector.broadcast %max3A_175 : f32 to vector<8x128xf32>
      %max3A_177 = arith.maximumf %sub3A_174, %max3A_176 : vector<8x128xf32>
      %min3A_178 = vector.broadcast %get3A_166 : f32 to vector<8x128xf32>
      %min3A_179 = arith.minimumf %get3A_10, %min3A_178 : vector<8x128xf32>
      %max3A_180 = vector.broadcast %get3A_162 : f32 to vector<8x128xf32>
      %max3A_181 = arith.maximumf %get3A_4, %max3A_180 : vector<8x128xf32>
      %sub3A_182 = arith.subf %min3A_179, %max3A_181 : vector<8x128xf32>
      %max3A_183 = arith.constant 0.000000e+00 : f32
      %max3A_184 = vector.broadcast %max3A_183 : f32 to vector<8x128xf32>
      %max3A_185 = arith.maximumf %sub3A_182, %max3A_184 : vector<8x128xf32>
      %mul3A_186 = arith.mulf %max3A_177, %max3A_185 : vector<8x128xf32>
      %add3A_187 = vector.broadcast %mul3A_169 : f32 to vector<8x128xf32>
      %add3A_188 = arith.addf %mul3A, %add3A_187 : vector<8x128xf32>
      %sub3A_189 = arith.subf %add3A_188, %mul3A_186 : vector<8x128xf32>
      %div3A_190 = arith.divf %mul3A_186, %sub3A_189 : vector<8x128xf32>
      %gt3A_191 = arith.cmpf ogt, %div3A_190, %select_n3A_150 : vector<8x128xf32>
      %select_n3A_192 = arith.select %gt3A_191, %div3A_190, %select_n3A_150 : vector<8x128xi1>, vector<8x128xf32>
      %broadcast_in_dim3A_193 = vector.broadcast %scan3A_158 : i32 to vector<8x128xi32>
      %select_n3A_194 = arith.select %gt3A_191, %broadcast_in_dim3A_193, %select_n3A_152 : vector<8x128xi1>, vector<8x128xi32>
      %get3A_195 = arith.index_cast %scan3A_158 : i32 to index
      %get3A_196 = memref.load %arg9[%get3A_195] : memref<128xi32, #tpu.memory_space<smem>>
      %broadcast_in_dim3A_197 = vector.broadcast %get3A_196 : i32 to vector<8x128xi32>
      %select_n3A_198 = arith.select %gt3A_191, %broadcast_in_dim3A_197, %select_n3A_156 : vector<8x128xi1>, vector<8x128xi32>
      %scan3A_199 = arith.constant 4 : i32
      %scan3A_200 = arith.addi %scan3A_34, %scan3A_199 : i32
      %get3A_201 = arith.index_cast %scan3A_200 : i32 to index
      %get3A_202 = memref.load %arg5[%get3A_201] : memref<128xf32, #tpu.memory_space<smem>>
      %get3A_203 = arith.index_cast %scan3A_200 : i32 to index
      %get3A_204 = memref.load %arg6[%get3A_203] : memref<128xf32, #tpu.memory_space<smem>>
      %get3A_205 = arith.index_cast %scan3A_200 : i32 to index
      %get3A_206 = memref.load %arg7[%get3A_205] : memref<128xf32, #tpu.memory_space<smem>>
      %get3A_207 = arith.index_cast %scan3A_200 : i32 to index
      %get3A_208 = memref.load %arg8[%get3A_207] : memref<128xf32, #tpu.memory_space<smem>>
      %sub3A_209 = arith.subf %get3A_206, %get3A_202 : f32
      %sub3A_210 = arith.subf %get3A_208, %get3A_204 : f32
      %mul3A_211 = arith.mulf %sub3A_209, %sub3A_210 : f32
      %min3A_212 = vector.broadcast %get3A_206 : f32 to vector<8x128xf32>
      %min3A_213 = arith.minimumf %get3A_7, %min3A_212 : vector<8x128xf32>
      %max3A_214 = vector.broadcast %get3A_202 : f32 to vector<8x128xf32>
      %max3A_215 = arith.maximumf %get3A_1, %max3A_214 : vector<8x128xf32>
      %sub3A_216 = arith.subf %min3A_213, %max3A_215 : vector<8x128xf32>
      %max3A_217 = arith.constant 0.000000e+00 : f32
      %max3A_218 = vector.broadcast %max3A_217 : f32 to vector<8x128xf32>
      %max3A_219 = arith.maximumf %sub3A_216, %max3A_218 : vector<8x128xf32>
      %min3A_220 = vector.broadcast %get3A_208 : f32 to vector<8x128xf32>
      %min3A_221 = arith.minimumf %get3A_10, %min3A_220 : vector<8x128xf32>
      %max3A_222 = vector.broadcast %get3A_204 : f32 to vector<8x128xf32>
      %max3A_223 = arith.maximumf %get3A_4, %max3A_222 : vector<8x128xf32>
      %sub3A_224 = arith.subf %min3A_221, %max3A_223 : vector<8x128xf32>
      %max3A_225 = arith.constant 0.000000e+00 : f32
      %max3A_226 = vector.broadcast %max3A_225 : f32 to vector<8x128xf32>
      %max3A_227 = arith.maximumf %sub3A_224, %max3A_226 : vector<8x128xf32>
      %mul3A_228 = arith.mulf %max3A_219, %max3A_227 : vector<8x128xf32>
      %add3A_229 = vector.broadcast %mul3A_211 : f32 to vector<8x128xf32>
      %add3A_230 = arith.addf %mul3A, %add3A_229 : vector<8x128xf32>
      %sub3A_231 = arith.subf %add3A_230, %mul3A_228 : vector<8x128xf32>
      %div3A_232 = arith.divf %mul3A_228, %sub3A_231 : vector<8x128xf32>
      %gt3A_233 = arith.cmpf ogt, %div3A_232, %select_n3A_192 : vector<8x128xf32>
      %select_n3A_234 = arith.select %gt3A_233, %div3A_232, %select_n3A_192 : vector<8x128xi1>, vector<8x128xf32>
      %broadcast_in_dim3A_235 = vector.broadcast %scan3A_200 : i32 to vector<8x128xi32>
      %select_n3A_236 = arith.select %gt3A_233, %broadcast_in_dim3A_235, %select_n3A_194 : vector<8x128xi1>, vector<8x128xi32>
      %get3A_237 = arith.index_cast %scan3A_200 : i32 to index
      %get3A_238 = memref.load %arg9[%get3A_237] : memref<128xi32, #tpu.memory_space<smem>>
      %broadcast_in_dim3A_239 = vector.broadcast %get3A_238 : i32 to vector<8x128xi32>
      %select_n3A_240 = arith.select %gt3A_233, %broadcast_in_dim3A_239, %select_n3A_198 : vector<8x128xi1>, vector<8x128xi32>
      %scan3A_241 = arith.constant 5 : i32
      %scan3A_242 = arith.addi %scan3A_34, %scan3A_241 : i32
      %get3A_243 = arith.index_cast %scan3A_242 : i32 to index
      %get3A_244 = memref.load %arg5[%get3A_243] : memref<128xf32, #tpu.memory_space<smem>>
      %get3A_245 = arith.index_cast %scan3A_242 : i32 to index
      %get3A_246 = memref.load %arg6[%get3A_245] : memref<128xf32, #tpu.memory_space<smem>>
      %get3A_247 = arith.index_cast %scan3A_242 : i32 to index
      %get3A_248 = memref.load %arg7[%get3A_247] : memref<128xf32, #tpu.memory_space<smem>>
      %get3A_249 = arith.index_cast %scan3A_242 : i32 to index
      %get3A_250 = memref.load %arg8[%get3A_249] : memref<128xf32, #tpu.memory_space<smem>>
      %sub3A_251 = arith.subf %get3A_248, %get3A_244 : f32
      %sub3A_252 = arith.subf %get3A_250, %get3A_246 : f32
      %mul3A_253 = arith.mulf %sub3A_251, %sub3A_252 : f32
      %min3A_254 = vector.broadcast %get3A_248 : f32 to vector<8x128xf32>
      %min3A_255 = arith.minimumf %get3A_7, %min3A_254 : vector<8x128xf32>
      %max3A_256 = vector.broadcast %get3A_244 : f32 to vector<8x128xf32>
      %max3A_257 = arith.maximumf %get3A_1, %max3A_256 : vector<8x128xf32>
      %sub3A_258 = arith.subf %min3A_255, %max3A_257 : vector<8x128xf32>
      %max3A_259 = arith.constant 0.000000e+00 : f32
      %max3A_260 = vector.broadcast %max3A_259 : f32 to vector<8x128xf32>
      %max3A_261 = arith.maximumf %sub3A_258, %max3A_260 : vector<8x128xf32>
      %min3A_262 = vector.broadcast %get3A_250 : f32 to vector<8x128xf32>
      %min3A_263 = arith.minimumf %get3A_10, %min3A_262 : vector<8x128xf32>
      %max3A_264 = vector.broadcast %get3A_246 : f32 to vector<8x128xf32>
      %max3A_265 = arith.maximumf %get3A_4, %max3A_264 : vector<8x128xf32>
      %sub3A_266 = arith.subf %min3A_263, %max3A_265 : vector<8x128xf32>
      %max3A_267 = arith.constant 0.000000e+00 : f32
      %max3A_268 = vector.broadcast %max3A_267 : f32 to vector<8x128xf32>
      %max3A_269 = arith.maximumf %sub3A_266, %max3A_268 : vector<8x128xf32>
      %mul3A_270 = arith.mulf %max3A_261, %max3A_269 : vector<8x128xf32>
      %add3A_271 = vector.broadcast %mul3A_253 : f32 to vector<8x128xf32>
      %add3A_272 = arith.addf %mul3A, %add3A_271 : vector<8x128xf32>
      %sub3A_273 = arith.subf %add3A_272, %mul3A_270 : vector<8x128xf32>
      %div3A_274 = arith.divf %mul3A_270, %sub3A_273 : vector<8x128xf32>
      %gt3A_275 = arith.cmpf ogt, %div3A_274, %select_n3A_234 : vector<8x128xf32>
      %select_n3A_276 = arith.select %gt3A_275, %div3A_274, %select_n3A_234 : vector<8x128xi1>, vector<8x128xf32>
      %broadcast_in_dim3A_277 = vector.broadcast %scan3A_242 : i32 to vector<8x128xi32>
      %select_n3A_278 = arith.select %gt3A_275, %broadcast_in_dim3A_277, %select_n3A_236 : vector<8x128xi1>, vector<8x128xi32>
      %get3A_279 = arith.index_cast %scan3A_242 : i32 to index
      %get3A_280 = memref.load %arg9[%get3A_279] : memref<128xi32, #tpu.memory_space<smem>>
      %broadcast_in_dim3A_281 = vector.broadcast %get3A_280 : i32 to vector<8x128xi32>
      %select_n3A_282 = arith.select %gt3A_275, %broadcast_in_dim3A_281, %select_n3A_240 : vector<8x128xi1>, vector<8x128xi32>
      %scan3A_283 = arith.constant 6 : i32
      %scan3A_284 = arith.addi %scan3A_34, %scan3A_283 : i32
      %get3A_285 = arith.index_cast %scan3A_284 : i32 to index
      %get3A_286 = memref.load %arg5[%get3A_285] : memref<128xf32, #tpu.memory_space<smem>>
      %get3A_287 = arith.index_cast %scan3A_284 : i32 to index
      %get3A_288 = memref.load %arg6[%get3A_287] : memref<128xf32, #tpu.memory_space<smem>>
      %get3A_289 = arith.index_cast %scan3A_284 : i32 to index
      %get3A_290 = memref.load %arg7[%get3A_289] : memref<128xf32, #tpu.memory_space<smem>>
      %get3A_291 = arith.index_cast %scan3A_284 : i32 to index
      %get3A_292 = memref.load %arg8[%get3A_291] : memref<128xf32, #tpu.memory_space<smem>>
      %sub3A_293 = arith.subf %get3A_290, %get3A_286 : f32
      %sub3A_294 = arith.subf %get3A_292, %get3A_288 : f32
      %mul3A_295 = arith.mulf %sub3A_293, %sub3A_294 : f32
      %min3A_296 = vector.broadcast %get3A_290 : f32 to vector<8x128xf32>
      %min3A_297 = arith.minimumf %get3A_7, %min3A_296 : vector<8x128xf32>
      %max3A_298 = vector.broadcast %get3A_286 : f32 to vector<8x128xf32>
      %max3A_299 = arith.maximumf %get3A_1, %max3A_298 : vector<8x128xf32>
      %sub3A_300 = arith.subf %min3A_297, %max3A_299 : vector<8x128xf32>
      %max3A_301 = arith.constant 0.000000e+00 : f32
      %max3A_302 = vector.broadcast %max3A_301 : f32 to vector<8x128xf32>
      %max3A_303 = arith.maximumf %sub3A_300, %max3A_302 : vector<8x128xf32>
      %min3A_304 = vector.broadcast %get3A_292 : f32 to vector<8x128xf32>
      %min3A_305 = arith.minimumf %get3A_10, %min3A_304 : vector<8x128xf32>
      %max3A_306 = vector.broadcast %get3A_288 : f32 to vector<8x128xf32>
      %max3A_307 = arith.maximumf %get3A_4, %max3A_306 : vector<8x128xf32>
      %sub3A_308 = arith.subf %min3A_305, %max3A_307 : vector<8x128xf32>
      %max3A_309 = arith.constant 0.000000e+00 : f32
      %max3A_310 = vector.broadcast %max3A_309 : f32 to vector<8x128xf32>
      %max3A_311 = arith.maximumf %sub3A_308, %max3A_310 : vector<8x128xf32>
      %mul3A_312 = arith.mulf %max3A_303, %max3A_311 : vector<8x128xf32>
      %add3A_313 = vector.broadcast %mul3A_295 : f32 to vector<8x128xf32>
      %add3A_314 = arith.addf %mul3A, %add3A_313 : vector<8x128xf32>
      %sub3A_315 = arith.subf %add3A_314, %mul3A_312 : vector<8x128xf32>
      %div3A_316 = arith.divf %mul3A_312, %sub3A_315 : vector<8x128xf32>
      %gt3A_317 = arith.cmpf ogt, %div3A_316, %select_n3A_276 : vector<8x128xf32>
      %select_n3A_318 = arith.select %gt3A_317, %div3A_316, %select_n3A_276 : vector<8x128xi1>, vector<8x128xf32>
      %broadcast_in_dim3A_319 = vector.broadcast %scan3A_284 : i32 to vector<8x128xi32>
      %select_n3A_320 = arith.select %gt3A_317, %broadcast_in_dim3A_319, %select_n3A_278 : vector<8x128xi1>, vector<8x128xi32>
      %get3A_321 = arith.index_cast %scan3A_284 : i32 to index
      %get3A_322 = memref.load %arg9[%get3A_321] : memref<128xi32, #tpu.memory_space<smem>>
      %broadcast_in_dim3A_323 = vector.broadcast %get3A_322 : i32 to vector<8x128xi32>
      %select_n3A_324 = arith.select %gt3A_317, %broadcast_in_dim3A_323, %select_n3A_282 : vector<8x128xi1>, vector<8x128xi32>
      %scan3A_325 = arith.constant 7 : i32
      %scan3A_326 = arith.addi %scan3A_34, %scan3A_325 : i32
      %get3A_327 = arith.index_cast %scan3A_326 : i32 to index
      %get3A_328 = memref.load %arg5[%get3A_327] : memref<128xf32, #tpu.memory_space<smem>>
      %get3A_329 = arith.index_cast %scan3A_326 : i32 to index
      %get3A_330 = memref.load %arg6[%get3A_329] : memref<128xf32, #tpu.memory_space<smem>>
      %get3A_331 = arith.index_cast %scan3A_326 : i32 to index
      %get3A_332 = memref.load %arg7[%get3A_331] : memref<128xf32, #tpu.memory_space<smem>>
      %get3A_333 = arith.index_cast %scan3A_326 : i32 to index
      %get3A_334 = memref.load %arg8[%get3A_333] : memref<128xf32, #tpu.memory_space<smem>>
      %sub3A_335 = arith.subf %get3A_332, %get3A_328 : f32
      %sub3A_336 = arith.subf %get3A_334, %get3A_330 : f32
      %mul3A_337 = arith.mulf %sub3A_335, %sub3A_336 : f32
      %min3A_338 = vector.broadcast %get3A_332 : f32 to vector<8x128xf32>
      %min3A_339 = arith.minimumf %get3A_7, %min3A_338 : vector<8x128xf32>
      %max3A_340 = vector.broadcast %get3A_328 : f32 to vector<8x128xf32>
      %max3A_341 = arith.maximumf %get3A_1, %max3A_340 : vector<8x128xf32>
      %sub3A_342 = arith.subf %min3A_339, %max3A_341 : vector<8x128xf32>
      %max3A_343 = arith.constant 0.000000e+00 : f32
      %max3A_344 = vector.broadcast %max3A_343 : f32 to vector<8x128xf32>
      %max3A_345 = arith.maximumf %sub3A_342, %max3A_344 : vector<8x128xf32>
      %min3A_346 = vector.broadcast %get3A_334 : f32 to vector<8x128xf32>
      %min3A_347 = arith.minimumf %get3A_10, %min3A_346 : vector<8x128xf32>
      %max3A_348 = vector.broadcast %get3A_330 : f32 to vector<8x128xf32>
      %max3A_349 = arith.maximumf %get3A_4, %max3A_348 : vector<8x128xf32>
      %sub3A_350 = arith.subf %min3A_347, %max3A_349 : vector<8x128xf32>
      %max3A_351 = arith.constant 0.000000e+00 : f32
      %max3A_352 = vector.broadcast %max3A_351 : f32 to vector<8x128xf32>
      %max3A_353 = arith.maximumf %sub3A_350, %max3A_352 : vector<8x128xf32>
      %mul3A_354 = arith.mulf %max3A_345, %max3A_353 : vector<8x128xf32>
      %add3A_355 = vector.broadcast %mul3A_337 : f32 to vector<8x128xf32>
      %add3A_356 = arith.addf %mul3A, %add3A_355 : vector<8x128xf32>
      %sub3A_357 = arith.subf %add3A_356, %mul3A_354 : vector<8x128xf32>
      %div3A_358 = arith.divf %mul3A_354, %sub3A_357 : vector<8x128xf32>
      %gt3A_359 = arith.cmpf ogt, %div3A_358, %select_n3A_318 : vector<8x128xf32>
      %select_n3A_360 = arith.select %gt3A_359, %div3A_358, %select_n3A_318 : vector<8x128xi1>, vector<8x128xf32>
      %broadcast_in_dim3A_361 = vector.broadcast %scan3A_326 : i32 to vector<8x128xi32>
      %select_n3A_362 = arith.select %gt3A_359, %broadcast_in_dim3A_361, %select_n3A_320 : vector<8x128xi1>, vector<8x128xi32>
      %get3A_363 = arith.index_cast %scan3A_326 : i32 to index
      %get3A_364 = memref.load %arg9[%get3A_363] : memref<128xi32, #tpu.memory_space<smem>>
      %broadcast_in_dim3A_365 = vector.broadcast %get3A_364 : i32 to vector<8x128xi32>
      %select_n3A_366 = arith.select %gt3A_359, %broadcast_in_dim3A_365, %select_n3A_324 : vector<8x128xi1>, vector<8x128xi32>
      scf.yield %select_n3A_360, %select_n3A_362, %select_n3A_366 : vector<8x128xf32>, vector<8x128xi32>, vector<8x128xi32>
    }
    %scan3A_19 = arith.constant 128 : i32
    %lt3A = arith.constant 5.000000e-01 : f32
    %lt3A_20 = vector.broadcast %lt3A : f32 to vector<8x128xf32>
    %lt3A_21 = arith.cmpf olt, %scan3A_18#0, %lt3A_20 : vector<8x128xf32>
    %swap3A = arith.constant 0 : index
    %swap3A_22 = arith.constant 0 : index
    %swap3A_23 = vector.load %arg10[%swap3A, %swap3A_22] : memref<8x128xf32, #tpu.memory_space<vmem>>, vector<8x128xf32>
    tpu.vector_store %arg10[%swap3A, %swap3A_22], %scan3A_18#0 {strides = array<i32>} : memref<8x128xf32, #tpu.memory_space<vmem>>, vector<8x128xf32>,
    %jit3A = arith.constant 0 : i32
    %broadcast_in_dim3A_24 = vector.broadcast %jit3A : i32 to vector<8x128xi32>
    %select_n3A = arith.select %lt3A_21, %broadcast_in_dim3A_24, %scan3A_18#1 : vector<8x128xi1>, vector<8x128xi32>
    %swap3A_25 = arith.constant 0 : index
    %swap3A_26 = arith.constant 0 : index
    %swap3A_27 = vector.load %arg11[%swap3A_25, %swap3A_26] : memref<8x128xi32, #tpu.memory_space<vmem>>, vector<8x128xi32>
    tpu.vector_store %arg11[%swap3A_25, %swap3A_26], %select_n3A {strides = array<i32>} : memref<8x128xi32, #tpu.memory_space<vmem>>, vector<8x128xi32>,
    %jit3A_28 = arith.constant 0 : i32
    %broadcast_in_dim3A_29 = vector.broadcast %jit3A_28 : i32 to vector<8x128xi32>
    %select_n3A_30 = arith.select %lt3A_21, %broadcast_in_dim3A_29, %scan3A_18#2 : vector<8x128xi1>, vector<8x128xi32>
    %swap3A_31 = arith.constant 0 : index
    %swap3A_32 = arith.constant 0 : index
    %swap3A_33 = vector.load %arg12[%swap3A_31, %swap3A_32] : memref<8x128xi32, #tpu.memory_space<vmem>>, vector<8x128xi32>
    tpu.vector_store %arg12[%swap3A_31, %swap3A_32], %select_n3A_30 {strides = array<i32>} : memref<8x128xi32, #tpu.memory_space<vmem>>, vector<8x128xi32>,
    return
  }
  func.func @transform_0(%arg0: i32) -> (i32, i32) {
    %c0_i32 = arith.constant 0 : i32
    %c0_i32_0 = arith.constant 0 : i32
    return %arg0, %c0_i32 : i32, i32
  }
  func.func @transform_1(%arg0: i32) -> (i32, i32) {
    %c0_i32 = arith.constant 0 : i32
    %c0_i32_0 = arith.constant 0 : i32
    return %arg0, %c0_i32 : i32, i32
  }
  func.func @transform_2(%arg0: i32) -> (i32, i32) {
    %c0_i32 = arith.constant 0 : i32
    %c0_i32_0 = arith.constant 0 : i32
    return %arg0, %c0_i32 : i32, i32
  }
  func.func @transform_3(%arg0: i32) -> (i32, i32) {
    %c0_i32 = arith.constant 0 : i32
    %c0_i32_0 = arith.constant 0 : i32
    return %arg0, %c0_i32 : i32, i32
  }
  func.func @transform_4(%arg0: i32) -> i32 {
    %c0_i32 = arith.constant 0 : i32
    %c0_i32_0 = arith.constant 0 : i32
    return %c0_i32 : i32
  }
  func.func @transform_5(%arg0: i32) -> i32 {
    %c0_i32 = arith.constant 0 : i32
    %c0_i32_0 = arith.constant 0 : i32
    return %c0_i32 : i32
  }
  func.func @transform_6(%arg0: i32) -> i32 {
    %c0_i32 = arith.constant 0 : i32
    %c0_i32_0 = arith.constant 0 : i32
    return %c0_i32 : i32
  }
  func.func @transform_7(%arg0: i32) -> i32 {
    %c0_i32 = arith.constant 0 : i32
    %c0_i32_0 = arith.constant 0 : i32
    return %c0_i32 : i32
  }
  func.func @transform_8(%arg0: i32) -> i32 {
    %c0_i32 = arith.constant 0 : i32
    %c0_i32_0 = arith.constant 0 : i32
    return %c0_i32 : i32
  }
  func.func @transform_9(%arg0: i32) -> (i32, i32) {
    %c0_i32 = arith.constant 0 : i32
    %c0_i32_0 = arith.constant 0 : i32
    return %arg0, %c0_i32 : i32, i32
  }
  func.func @transform_10(%arg0: i32) -> (i32, i32) {
    %c0_i32 = arith.constant 0 : i32
    %c0_i32_0 = arith.constant 0 : i32
    return %arg0, %c0_i32 : i32, i32
  }
  func.func @transform_11(%arg0: i32) -> (i32, i32) {
    %c0_i32 = arith.constant 0 : i32
    %c0_i32_0 = arith.constant 0 : i32
    return %arg0, %c0_i32 : i32, i32
  }
}

</mosaic_0001>

<sc_bundles>
// kernel: kernel.4.cloned.1.call-start
scs
__scs_entry_jumppad:
0x0: {  	(pc) =	sbr.rel $0x88, $3  }
0x1: {  	(tag) =	ssettag $0x0;
	lr =	simm.s32 $0x1  }
0x2: {  	[smem:$0x3F9E] =	sst lr;
	_ =	strace $0xD0000000  }
0x3: {  	_ = 	snop  }
0x4: {  	_ = 	snop  }
0x5: {  	_ = 	snop  }
0x6: {  	_ = 	snop  }
0x7: {  	_ = 	snop  }
__scs_overlays_trampoline_lowered:
0x8: {  	[smem:$0x3FAD] =	sst s0  }
0x9: {  	[smem:$0x3FAE] =	sst s1  }
0xa: {  	[smem:$0x3FAF] =	sst s2  }
0xb: {  	[smem:$0x3FB0] =	sst s3  }
0xc: {  	[smem:$0x3FB1] =	sst s4  }
0xd: {  	[smem:$0x3FB2] =	sst s5  }
0xe: {  	[smem:$0x3FB3] =	sst s6  }
0xf: {  	[smem:$0x3FB4] =	sst s7  }
0x10: {  	[smem:$0x3FB5] =	sst s8  }
0x11: {  	[smem:$0x3FB6] =	sst s9;
	s0 =	simm.s32 @!p0 $0x0  }
0x12: {  	s1 =	sld [smem:$0x3F9C];
	s0 =	simm.s32 @p0 $0x1  }
0x13: {  	[smem:$0x3FB7] =	sst s0;
	s0 =	simm.s32 @!p1 $0x0  }
0x14: {  	s2 =	sld [smem:$0x3F9B];
	s0 =	simm.s32 @p1 $0x1  }
0x15: {  	[smem:$0x3FB8] =	sst s0;
	s0 =	simm.s32 @!p2 $0x0  }
0x16: {  	s3 =	sld [smem:$0x3FDB];
	s0 =	simm.s32 @p2 $0x1  }
0x17: {  	s4 =	simm.s32 $0x1BF5;
	[smem:$0x3FBA] =	sst s0  }
0x18: {  	s0 =	sld [smem:$0x3F9D];
	_ =	swait.ge [sflag:s4], $0x0  }
0x19: {  	s7 =	sld [smem:$0x3F9E]  }
0x1a: {  	s8 =	sadd.s32 $0xFFFFE003, lr  }
0x1b: {  	s9 =	sadd.s32 $0xFFFFFEF7, lr;
	s5 =	simm.s32 $0xFFFFFFFF;
	p2 =	slt.u32 s8, $0xFFFFF086  }
0x1c: {  	p1 =	slt.u32 s9, $0xF7A;
	s5 =	simm.s32 @!p2 $0x0  }
0x1d: {  	s5 =	simm.s32 @p1 $0x1;
	p0 =	seq.s32 s7, s2  }
0x1e: {  	s7 =	smul.u32 @!p0 $0xF7A, s2;
	p2 =	seq.s32 @!p0 s5, $0x0  }
0x1f: {  	s9 =	smul.u32 $0xF7A, s1;
	s8 =	simm.s32 @!p0 $0x1BF5;
	p2 =	por !p2, p0  }
0x20: {  	[sflag:s8] =	ssyncset.s32 @!p0 $0xFFFFF086;
	s6 =	sadd.s32 @!p0 s3, s7;
	s7 =	simm.s32 @!p0 $0x108  }
0x21: {  	s3 =	sadd.s32 s3, s9;
	s6 =	sadd.s32 @!p0 $0x88, s6;
	s7 =	simm.s32 @p2 $0x1082  }
0x22: {  	[simem:s7], [sflag:s8] =	dma.local @!p0 [hbm:s6], $0xF7A  }
0x23: {  	s9 =	sor.u32 $0xD0000000, s2;
	s6 =	simm.s32 $0x108;
	_ =	swait.ge @!p0 [sflag:s8], $0x0  }
0x24: {  	s3 =	sadd.s32 $0x88, s3;
	s6 =	simm.s32 @!p1 $0x1082;
	[sflag:s4] =	ssyncset.s32 $0xFFFFF086  }
0x25: {  	[simem:s6], [sflag:s4] =	dma.local [hbm:s3], $0xF7A  }
0x26: {  	[smem:$0x3F9E] =	sst s1;
	(tag) =	ssettag s2;
	_ =	strace s9  }
0x27: {  	s1 =	sld [smem:$0x3FAE]  }
0x28: {  	s2 =	sld [smem:$0x3FAF]  }
0x29: {  	s4 =	sld [smem:$0x3FB1]  }
0x2a: {  	p0 =	seq.s32 s5, $0x0;
	s5 =	sld [smem:$0x3FB2]  }
0x2b: {  	s6 =	sld [smem:$0x3FB3]  }
0x2c: {  	s7 =	sld [smem:$0x3FB4]  }
0x2d: {  	s3 =	simm.s32 $0x108;
	s8 =	sld [smem:$0x3FB5]  }
0x2e: {  	s3 =	simm.s32 @!p0 $0x1082;
	s9 =	sld [smem:$0x3FB6]  }
0x2f: {  	lr =	sadd.s32 s0, s3;
	s0 =	sld [smem:$0x3FAD]  }
0x30: {  	s3 =	sld [smem:$0x3FB0]  }
0x31: {  	[smem:$0x3FB9] =	sst s10  }
0x32: {  	s10 =	sld [smem:$0x3FB7];
	_ =	sdelay $0x3  }
0x33: {  	p0 =	seq.s32 s10, $0x1;
	s10 =	sld [smem:$0x3FB9];
	_ =	sdelay $0x3  }
0x34: {  	[smem:$0x3FB9] =	sst s10  }
0x35: {  	s10 =	sld [smem:$0x3FB8];
	_ =	sdelay $0x3  }
0x36: {  	p1 =	seq.s32 s10, $0x1;
	s10 =	sld [smem:$0x3FB9];
	_ =	sdelay $0x3  }
0x37: {  	[smem:$0x3FB9] =	sst s10  }
0x38: {  	s10 =	sld [smem:$0x3FBA]  }
0x39: {  	_ = 	snop;
	(pc) =	sbr.ind lr, $3  }
0x3a: {  	_ = 	snop  }
0x3b: {  	_ = 	snop  }
0x3c: {  	p2 =	seq.s32 s10, $0x1;
	s10 =	sld [smem:$0x3FB9]  }
0x3d: {  	_ =	shalt  }
0x3e: {  	_ =	shalt  }
0x3f: {  	_ =	shalt  }
0x40: {  	_ =	shalt  }
0x41: {  	_ =	shalt  }
0x42: {  	_ =	shalt  }
0x43: {  	_ =	shalt  }
0x44: {  	_ =	shalt  }
0x45: {  	_ =	shalt  }
0x46: {  	_ =	shalt  }
0x47: {  	_ =	shalt  }
0x48: {  	_ =	shalt  }
0x49: {  	_ =	shalt  }
0x4a: {  	_ =	shalt  }
0x4b: {  	_ =	shalt  }
0x4c: {  	_ =	shalt  }
0x4d: {  	_ =	shalt  }
0x4e: {  	_ =	shalt  }
0x4f: {  	_ =	shalt  }
0x50: {  	_ =	shalt  }
0x51: {  	_ =	shalt  }
0x52: {  	_ =	shalt  }
0x53: {  	_ =	shalt  }
0x54: {  	_ =	shalt  }
0x55: {  	_ =	shalt  }
0x56: {  	_ =	shalt  }
0x57: {  	_ =	shalt  }
0x58: {  	_ =	shalt  }
0x59: {  	_ =	shalt  }
0x5a: {  	_ =	shalt  }
0x5b: {  	_ =	shalt  }
0x5c: {  	_ =	shalt  }
0x5d: {  	_ =	shalt  }
0x5e: {  	_ =	shalt  }
0x5f: {  	_ =	shalt  }
0x60: {  	_ =	shalt  }
0x61: {  	_ =	shalt  }
0x62: {  	_ =	shalt  }
0x63: {  	_ =	shalt  }
0x64: {  	_ =	shalt  }
0x65: {  	_ =	shalt  }
0x66: {  	_ =	shalt  }
0x67: {  	_ =	shalt  }
0x68: {  	_ =	shalt  }
0x69: {  	_ =	shalt  }
0x6a: {  	_ =	shalt  }
0x6b: {  	_ =	shalt  }
0x6c: {  	_ =	shalt  }
0x6d: {  	_ =	shalt  }
0x6e: {  	_ =	shalt  }
0x6f: {  	_ =	shalt  }
0x70: {  	_ =	shalt  }
0x71: {  	_ =	shalt  }
0x72: {  	_ =	shalt  }
0x73: {  	_ =	shalt  }
0x74: {  	_ =	shalt  }
0x75: {  	_ =	shalt  }
0x76: {  	_ =	shalt  }
0x77: {  	_ =	shalt  }
0x78: {  	_ =	shalt  }
0x79: {  	_ =	shalt  }
0x7a: {  	_ =	shalt  }
0x7b: {  	_ =	shalt  }
0x7c: {  	_ =	shalt  }
0x7d: {  	_ =	shalt  }
0x7e: {  	_ =	shalt  }
0x7f: {  	_ =	shalt  }
0x80: {  	_ =	shalt  }
0x81: {  	_ =	shalt  }
0x82: {  	_ =	shalt  }
0x83: {  	_ =	shalt  }
0x84: {  	_ =	shalt  }
0x85: {  	_ =	shalt  }
0x86: {  	_ =	shalt  }
0x87: {  	_ =	shalt  }
.Lfunc_end0:
.L_simem_size_0:
called_computation_lowered:
.L_overlay_start_0:
0x88: {  	s2 =	sld [smem:$0x3FD9]  }
0x89: {  	s3 =	sld [smem:$0x3FFE];
	_ =	sdelay $0x1  }
0x8a: {  	s1 =	srdreg.scid  }
0x8b: {  	s0 =	sand.u32 $0x1, s1  }
0x8c: {  	s14 =	sshll.u32 s0, $0xA;
	s2 =	sadd.s32 s3, s2  }
0x8d: {  	s2 =	sadd.s32 s2, s14  }
0x8e: {  	[smem:$0x3FC5] =	sst s2  }
0x8f: {  	_ = 	snop  }
0x90: {  	s2 =	sld [smem:$0x3FD0];
	_ =	sdelay $0x2  }
0x91: {  	s4 =	simm.s32 $0xA;
	s5 =	simm.s32 $0x10;
	s15 =	sld [smem:$0x3FC7]  }
0x92: {  	[smem:s5], [sflag:s4] =	dma.local [hbm:s2], $0x1  }
0x93: {  	_ =	swait.eq [sflag:s4], $0x1  }
0x94: {  	s16 =	sld [smem:$0x10];
	[sflag:s4] =	ssyncset.done $0x0  }
0x95: {  	s17 =	sld [smem:$0x11];
	[sflag:s4] =	ssyncadd.s32 $0xFFFFFFFF  }
0x96: {  	s18 =	sld [smem:$0x12];
	(tm) =	ssettm $0x1  }
0x97: {  	s6 =	sld [smem:$0x3FFB];
	_ =	sdelay $0x3  }
0x98: {  	_ =	strace s6  }
0x99: {  	s6 =	sld [smem:$0x3FFC];
	_ =	sdelay $0x3  }
0x9a: {  	_ =	strace s6  }
0x9b: {  	s6 =	sld [smem:$0x3FFD];
	_ =	sdelay $0x3  }
0x9c: {  	_ =	strace s6  }
0x9d: {  	_ =	strace $0x8FFFFFFF  }
0x9e: {  	s19 =	sld [smem:$0x3FDB];
	_ =	sdelay $0x1  }
0x9f: {  	s7 =	simm.s32 $_scs_section_size  }
0xa0: {  	s8 =	simm.s32 $_size__tile_overlayer_lowered;
	s9 =	simm.s32 $_tile_overlayer_lowered  }
0xa1: {  	s22 =	simm.s32 $0x1BFF;
	s21 =	sshll.u32 s9, $0x1;
	s6 =	sadd.s32 s7, s19  }
0xa2: {  	s10 =	simm.s32 $0x0;
	s20 =	sshll.u32 s8, $0x1;
	s8 =	sadd.s32 s21, s6  }
0xa3: {  	[timem:s10], [sflag:s22] =	dma.local [hbm:s8], s20  }
0xa4: {  	_ =	swait.ge [sflag:s22], s20  }
0xa5: {  	s7 =	ssub.s32 $0x0, s20;
	[sflag:s22] =	ssyncset.done $0x0  }
0xa6: {  	[sflag:s22] =	ssyncadd.s32 s7;
	_ =	sdelay $0x1  }
0xa7: {  	s23 =	simm.s32 $0x1B8B  }
0xa8: {  	_ =	swait.ge [sflag:s23], $0x1  }
0xa9: {  	[sflag:s23] =	ssyncset.done $0x0  }
0xaa: {  	s25 =	simm.s32 $0x1B8E;
	s24 =	sld [smem:$0x3FFE];
	[sflag:s23] =	ssyncadd.s32 $0xFFFFFFFF  }
0xab: {  	s26 =	simm.s32 $execute0_lowered;
	[smem:$0x3FD2] =	sst s25  }
0xac: {  	s8 =	sshll.u32 s26, $0x1;
	_ =	strace $0x80000046;
	[dreg:$0x1] =	wrdreg $0xFFFFFFFF  }
0xad: {  	s28 =	simm.s32 $_size_execute0_lowered;
	s6 =	sadd.s32 s6, s8;
	[dreg:$0x0] =	wrdreg $0x0  }
0xae: {  	s8 =	sshll.u32 s28, $0x1;
	[dreg:$0x2] =	wrdreg s6  }
0xaf: {  	[dreg:$0x3] =	wrdreg s8  }
0xb0: {  	[dreg:$0x4] =	wrdreg $0xC0  }
0xb1: {  	_ =	task [dreg:s10], $0x5FFFF  }
0xb2: {  	[dreg:$0x1] =	wrdreg $0xFFFFFFFF  }
0xb3: {  	[dreg:$0x0] =	wrdreg $0x60  }
0xb4: {  	[dreg:$0x2] =	wrdreg s24  }
0xb5: {  	[dreg:$0x3] =	wrdreg s16  }
0xb6: {  	[dreg:$0x4] =	wrdreg s17  }
0xb7: {  	[dreg:$0x5] =	wrdreg s18  }
0xb8: {  	[dreg:$0x6] =	wrdreg s15  }
0xb9: {  	[dreg:$0x7] =	wrdreg $0x9  }
0xba: {  	_ =	task.clear_ibuf [dreg:s10], $0x8FFFF;
	_ =	strace $0x90000046  }
0xbb: {  	s29 =	simm.s32 $0x9;
	_ =	strace $0x80000048  }
0xbc: {  	_ =	swait.ge [sflag:s29], $0x1  }
0xbd: {  	[sflag:s29] =	ssyncadd.s32 $0xFFFFFFFF  }
0xbe: {  	_ =	strace $0x90000048  }
0xbf: {  	_ =	sfence  }
0xc0: {  	s30 =	sld [smem:$0x0];
	_ =	sdelay $0x2  }
0xc1: {  	s31 =	sshll.u32 s1, $0xD;
	s1 =	sshrl.u32 s1, $0x2  }
0xc2: {  	s3 =	sand.u32 $0x4000, s31;
	s1 =	sadd.s32 s1, s30  }
0xc3: {  	s0 =	sor.u32 s3, s0;
	s1 =	sshll.u32 s1, $0x11  }
0xc4: {  	s0 =	sor.u32 s1, s0  }
0xc5: {  	s0 =	sadd.s32 $0x8F2B, s0  }
0xc6: {  	[sflag:s0] =	ssyncadd.remote.s32 $0x1  }
0xc7: {  	_ =	sfence.sel $0xFFFF  }
0xc8: {  	[dreg:$0x0] =	wrdreg $0xFFFFFFFF;
	(pc) =	sbr.abs _section_cstart, $3  }
0xc9: {  	[dreg:$0x1] =	wrdreg $0xFFFFFFFF  }
0xca: {  	_ =	task.clear_ibuf [dreg:s10], $0x2FFFF;
	_ =	strace $0x9FFFFFFF  }
0xcb: {  	(tm) =	ssettm $0x7FFFFFFF  }
tec
execute0_lowered:
.L_overlay_start_1:
0x0: {  	(tag) =	ssettag $0x1  }
0x1: {  	s9 =	rddreg [dreg:$0x0]  }
0x2: {  	s0 =	rddreg [dreg:$0x1]  }
0x3: {  	s1 =	rddreg [dreg:$0x2]  }
0x4: {  	s2 =	rddreg [dreg:$0x3]  }
0x5: {  	s3 =	srdreg.scid;
	s5 =	stileid.u32  }
0x6: {  	s4 =	simm.s32 $0x0;
	s28 =	simm.s32 $0x500;
	s29 =	simm.s32 $0x580  }
0x7: {  	s30 =	simm.s32 $0xA00;
	s31 =	simm.s32 $0xA80;
	s3 =	sand.u32 $0x1, s3  }
0x8: {  	s5 =	sshll.u32 s5, $0x1;
	[smem:$0x7FF] =	sst s4;
	s7 =	sadd.s32 $0x600, s9  }
0x9: {  	s20 =	sadd.s32 $0x400, s9;
	_ =	strace $0x80000047;
	[dreg:$0x6] =	wrdreg s7  }
0xa: {  	s21 =	sadd.s32 $0x200, s9;
	s10 =	sadd.s32 $0xE00, s9;
	[dreg:$0x7] =	wrdreg s20  }
0xb: {  	s26 =	sadd.s32 $0xB26, s9;
	s15 =	sadd.s32 $0x326, s1;
	[dreg:$0x8] =	wrdreg s21  }
0xc: {  	s16 =	sadd.s32 $0x326, s2;
	s5 =	sor.u32 s3, s5;
	[dreg:$0x9] =	wrdreg s10  }
0xd: {  	s3 =	ssub.s32 $0x2, s3;
	[dreg:$0xe] =	wrdreg s26;
	s20 =	sadd.s32 $0x1B26, s9  }
0xe: {  	s21 =	sadd.s32 $0x1726, s9;
	s26 =	simm.s32 $0x480;
	s6 =	smul.u32 $0x1A, s5  }
0xf: {  	s8 =	sshrl.u32 s3, $0x1;
	p0 =	seq.s32 s5, $0x1F;
	s5 =	simm.s32 $0x0  }
0x10: {  	s3 =	ssub.s32 s3, s8;
	s22 =	sadd.s32 s6, s9;
	s24 =	sadd.s32 s0, s6  }
0x11: {  	s25 =	sadd.s32 s1, s6;
	s6 =	sadd.s32 s2, s6;
	[dreg:$0xb] =	wrdreg s24  }
0x12: {  	s0 =	sadd.s32 $0x326, s0;
	s2 =	simm.s32 $0x700;
	[dreg:$0xc] =	wrdreg s25  }
.Ltmp0:
0x13: {  	s1 =	simm.s32 $0x900;
	[dreg:$0xd] =	wrdreg s6;
	(pc) =	sbr.rel .LBB2_1-.Ltmp0, $4  }
0x14: {  	s23 =	sadd.s32 $0x800, s22;
	[dreg:$0xf] =	wrdreg s0;
	s17 =	sadd.s32 $0x1800, s22  }
0x15: {  	s18 =	sadd.s32 $0x1400, s22;
	s19 =	sadd.s32 $0x1000, s22;
	s22 =	sadd.s32 $0x1326, s9  }
0x16: {  	s24 =	simm.s32 $0x400;
	s25 =	simm.s32 $0x1;
	s0 =	simm.s32 $0x600  }
0x17: {  	v0 =	vimm.f32 $1.000000020e+30;
	v1 =	vimm.s32 $0x3F;
	v2 =	vimm.s32 $0x0;
	[dreg:$0xa] =	wrdreg s23;
	s23 =	smax.u32 s3, $0x1;
	s3 =	simm.s32 $0x800  }
.LBB2_8:
0x18: {  	s6 =	simm.s32 @p0 $0x0;
	s7 =	simm.s32 @p0 $0xB00  }
0x19: {  	[hbm4b:s20+s6] =	stream.linear.scatter @p0 [tilespmem:s7], [sflag:$0x1], $0xF0, $0x38;
	[tilespmem:$0xE00] =	vst v63  }
0x1a: {  	s7 =	simm.s32 @p0 $0x1  }
0x1b: {  	_ =	swait.ge @p0 [sflag:s7], $0xF0  }
0x1c: {  	[sflag:s7] =	ssyncset.done @p0 $0x0  }
0x1d: {  	s8 =	simm.s32 @p0 $0xC00;
	[sflag:s7] =	ssyncadd.s32 @p0 $0xFFFFFF10  }
0x1e: {  	[hbm4b:s21+s6] =	stream.linear.scatter @p0 [tilespmem:s8], [sflag:$0x1], $0xF0, $0x38;
	[tilespmem:$0xE00] =	vst v63  }
0x1f: {  	_ =	swait.ge @p0 [sflag:s7], $0xF0  }
0x20: {  	[sflag:s7] =	ssyncset.done @p0 $0x0  }
0x21: {  	s8 =	simm.s32 @p0 $0xD00;
	[sflag:s7] =	ssyncadd.s32 @p0 $0xFFFFFF10  }
0x22: {  	[hbm4b:s22+s6] =	stream.linear.scatter @p0 [tilespmem:s8], [sflag:$0x1], $0xF0, $0x38;
	[tilespmem:$0xE00] =	vst v63  }
0x23: {  	_ =	swait.ge @p0 [sflag:s7], $0xF0  }
0x24: {  	[sflag:s7] =	ssyncset.done @p0 $0x0  }
0x25: {  	s6 =	simm.s32 @!p0 $0x0;
	[sflag:s7] =	ssyncadd.s32 @p0 $0xFFFFFF10;
	s7 =	simm.s32 @!p0 $0xB00  }
0x26: {  	[hbm4b:s17+s6] =	stream.linear.scatter @!p0 [tilespmem:s7], [sflag:$0x1], $0xD0, $0x38;
	[tilespmem:$0xE00] =	vst v63  }
0x27: {  	s7 =	simm.s32 @!p0 $0x1  }
0x28: {  	_ =	swait.ge @!p0 [sflag:s7], $0xD0  }
0x29: {  	[sflag:s7] =	ssyncset.done @!p0 $0x0  }
0x2a: {  	s8 =	simm.s32 @!p0 $0xC00;
	[sflag:s7] =	ssyncadd.s32 @!p0 $0xFFFFFF30  }
0x2b: {  	[hbm4b:s18+s6] =	stream.linear.scatter @!p0 [tilespmem:s8], [sflag:$0x1], $0xD0, $0x38;
	[tilespmem:$0xE00] =	vst v63  }
0x2c: {  	s5 =	sadd.s32 $0x1, s5;
	_ =	swait.ge @!p0 [sflag:s7], $0xD0  }
0x2d: {  	p1 =	sne.s32 s5, s23;
	[sflag:s7] =	ssyncset.done @!p0 $0x0  }
.Ltmp1:
0x2e: {  	s8 =	simm.s32 @!p0 $0xD00;
	[sflag:s7] =	ssyncadd.s32 @!p0 $0xFFFFFF30;
	(pc) =	sbr.rel @!p1 .LBB2_9-.Ltmp1, $4  }
0x2f: {  	[hbm4b:s19+s6] =	stream.linear.scatter @!p0 [tilespmem:s8], [sflag:$0x1], $0xD0, $0x38;
	[tilespmem:$0xE00] =	vst v63  }
0x30: {  	_ =	swait.ge @!p0 [sflag:s7], $0xD0  }
0x31: {  	[sflag:s7] =	ssyncset.done @!p0 $0x0  }
0x32: {  	[sflag:s7] =	ssyncadd.s32 @!p0 $0xFFFFFF30  }
.LBB2_1:
0x33: {  	s6 =	rddreg [dreg:$0x6]  }
0x34: {  	[tilespmem:s24], [sflag:$0x1] =	stream.linear.gather [hbm4b:s6+s4], $0x80, $0x38;
	[tilespmem:$0xE00] =	vst v63  }
0x35: {  	_ =	swait.ge [sflag:s25], $0x80  }
0x36: {  	[sflag:s25] =	ssyncset.done $0x0  }
0x37: {  	s10 =	rddreg [dreg:$0x7];
	[sflag:s25] =	ssyncadd.s32 $0xFFFFFF80  }
0x38: {  	[tilespmem:s26], [sflag:$0x1] =	stream.linear.gather [hbm4b:s10+s4], $0x80, $0x38;
	[tilespmem:$0xE00] =	vst v63  }
0x39: {  	_ =	swait.ge [sflag:s25], $0x80  }
0x3a: {  	[sflag:s25] =	ssyncset.done $0x0  }
0x3b: {  	s11 =	rddreg [dreg:$0x8];
	[sflag:s25] =	ssyncadd.s32 $0xFFFFFF80  }
0x3c: {  	[tilespmem:s28], [sflag:$0x1] =	stream.linear.gather [hbm4b:s11+s4], $0x80, $0x38;
	[tilespmem:$0xE00] =	vst v63  }
0x3d: {  	_ =	swait.ge [sflag:s25], $0x80  }
0x3e: {  	[sflag:s25] =	ssyncset.done $0x0  }
0x3f: {  	[sflag:s25] =	ssyncadd.s32 $0xFFFFFF80  }
0x40: {  	s12 =	rddreg [dreg:$0x0]  }
0x41: {  	[tilespmem:s29], [sflag:$0x1] =	stream.linear.gather [hbm4b:s12+s4], $0x80, $0x38;
	[tilespmem:$0xE00] =	vst v63  }
0x42: {  	_ =	swait.ge [sflag:s25], $0x80  }
0x43: {  	[sflag:s25] =	ssyncset.done $0x0  }
0x44: {  	s13 =	rddreg [dreg:$0x9];
	[sflag:s25] =	ssyncadd.s32 $0xFFFFFF80  }
0x45: {  	[tilespmem:s30], [sflag:$0x1] =	stream.linear.gather [hbm4b:s13+s4], $0x80, $0x38;
	[tilespmem:$0xE00] =	vst v63  }
0x46: {  	_ =	swait.ge [sflag:s25], $0x80  }
0x47: {  	[sflag:s25] =	ssyncset.done $0x0  }
0x48: {  	[sflag:s25] =	ssyncadd.s32 $0xFFFFFF80  }
0x49: {  	s14 =	rddreg [dreg:$0x4]  }
0x4a: {  	[tilespmem:s31], [sflag:$0x1] =	stream.linear.gather [hbm4b:s14+s4], $0x80, $0x38;
	[tilespmem:$0xE00] =	vst v63  }
0x4b: {  	_ =	swait.ge [sflag:s25], $0x80  }
0x4c: {  	[sflag:s25] =	ssyncset.done $0x0  }
0x4d: {  	s6 =	simm.s32 @p0 $0x0;
	s7 =	rddreg [dreg:$0xe];
	[sflag:s25] =	ssyncadd.s32 $0xFFFFFF80  }
0x4e: {  	[tilespmem:s6], [sflag:$0x1] =	stream.linear.gather @p0 [hbm4b:s7+s6], $0xF0, $0x38;
	[tilespmem:$0xE00] =	vst v63  }
0x4f: {  	s7 =	simm.s32 @p0 $0x1  }
0x50: {  	_ =	swait.ge @p0 [sflag:s7], $0xF0  }
0x51: {  	[sflag:s7] =	ssyncset.done @p0 $0x0  }
0x52: {  	s8 =	simm.s32 @p0 $0x100;
	s9 =	rddreg [dreg:$0xf];
	[sflag:s7] =	ssyncadd.s32 @p0 $0xFFFFFF10  }
0x53: {  	[tilespmem:s8], [sflag:$0x1] =	stream.linear.gather @p0 [hbm4b:s9+s6], $0xF0, $0x38;
	[tilespmem:$0xE00] =	vst v63  }
0x54: {  	_ =	swait.ge @p0 [sflag:s7], $0xF0  }
0x55: {  	[sflag:s7] =	ssyncset.done @p0 $0x0  }
0x56: {  	s8 =	simm.s32 @p0 $0x200;
	[sflag:s7] =	ssyncadd.s32 @p0 $0xFFFFFF10  }
0x57: {  	[tilespmem:s8], [sflag:$0x1] =	stream.linear.gather @p0 [hbm4b:s15+s6], $0xF0, $0x38;
	[tilespmem:$0xE00] =	vst v63  }
0x58: {  	_ =	swait.ge @p0 [sflag:s7], $0xF0  }
0x59: {  	[sflag:s7] =	ssyncset.done @p0 $0x0  }
0x5a: {  	s8 =	simm.s32 @p0 $0x300;
	[sflag:s7] =	ssyncadd.s32 @p0 $0xFFFFFF10  }
0x5b: {  	[tilespmem:s8], [sflag:$0x1] =	stream.linear.gather @p0 [hbm4b:s16+s6], $0xF0, $0x38;
	[tilespmem:$0xE00] =	vst v63  }
0x5c: {  	_ =	swait.ge @p0 [sflag:s7], $0xF0  }
0x5d: {  	[sflag:s7] =	ssyncset.done @p0 $0x0  }
0x5e: {  	s6 =	simm.s32 @!p0 $0x0;
	[sflag:s7] =	ssyncadd.s32 @p0 $0xFFFFFF10;
	s7 =	rddreg [dreg:$0xa]  }
0x5f: {  	[tilespmem:s6], [sflag:$0x1] =	stream.linear.gather @!p0 [hbm4b:s7+s6], $0xD0, $0x38;
	[tilespmem:$0xE00] =	vst v63  }
0x60: {  	s7 =	simm.s32 @!p0 $0x1  }
0x61: {  	_ =	swait.ge @!p0 [sflag:s7], $0xD0  }
0x62: {  	[sflag:s7] =	ssyncset.done @!p0 $0x0  }
0x63: {  	s8 =	simm.s32 @!p0 $0x100;
	s9 =	rddreg [dreg:$0xb];
	[sflag:s7] =	ssyncadd.s32 @!p0 $0xFFFFFF30  }
0x64: {  	[tilespmem:s8], [sflag:$0x1] =	stream.linear.gather @!p0 [hbm4b:s9+s6], $0xD0, $0x38;
	[tilespmem:$0xE00] =	vst v63  }
0x65: {  	_ =	swait.ge @!p0 [sflag:s7], $0xD0  }
0x66: {  	[sflag:s7] =	ssyncset.done @!p0 $0x0  }
0x67: {  	s8 =	simm.s32 @!p0 $0x200;
	s9 =	rddreg [dreg:$0xc];
	[sflag:s7] =	ssyncadd.s32 @!p0 $0xFFFFFF30  }
0x68: {  	[tilespmem:s8], [sflag:$0x1] =	stream.linear.gather @!p0 [hbm4b:s9+s6], $0xD0, $0x38;
	[tilespmem:$0xE00] =	vst v63  }
0x69: {  	_ =	swait.ge @!p0 [sflag:s7], $0xD0  }
0x6a: {  	[sflag:s7] =	ssyncset.done @!p0 $0x0  }
0x6b: {  	s8 =	simm.s32 @!p0 $0x300;
	s9 =	rddreg [dreg:$0xd];
	[sflag:s7] =	ssyncadd.s32 @!p0 $0xFFFFFF30  }
0x6c: {  	[tilespmem:s8], [sflag:$0x1] =	stream.linear.gather @!p0 [hbm4b:s9+s6], $0xD0, $0x38;
	[tilespmem:$0xE00] =	vst v63  }
0x6d: {  	_ =	swait.ge @!p0 [sflag:s7], $0xD0  }
0x6e: {  	[sflag:s7] =	ssyncset.done @!p0 $0x0  }
0x6f: {  	[sflag:s7] =	ssyncadd.s32 @!p0 $0xFFFFFF30  }
0x70: {  	v3 =	vld [tilespmem:$0xA00];
	_ =	sdelay $0x3  }
0x71: {  	[tilespmem:$0x680] =	vst v0  }
0x72: {  	[tilespmem:$0x780] =	vst v0  }
0x73: {  	[tilespmem:$0x880] =	vst v0  }
0x74: {  	[tilespmem:$0x980] =	vst v0  }
0x75: {  	v4 =	vld.idx.msk [tilespmem:v3+s24+$0x0], $0xffff;
	_ =	sdelay $0x4  }
0x76: {  	v5 =	vld.idx.msk [tilespmem:v3+s28+$0x0], $0xffff;
	[tilespmem:$0x600] =	vst v4  }
0x77: {  	v6 =	vld.idx.msk [tilespmem:v3+s26+$0x0], $0xffff;
	_ =	sdelay $0x3  }
0x78: {  	v55 =	vld [tilespmem:$0xA10];
	[tilespmem:$0x800] =	vst v5  }
0x79: {  	[tilespmem:$0x700] =	vst v6  }
0x7a: {  	v3 =	vld.idx.msk [tilespmem:v3+s29+$0x0], $0xffff;
	_ =	sdelay $0x4  }
0x7b: {  	[tilespmem:$0x900] =	vst v3  }
0x7c: {  	v3 =	vld.idx.msk [tilespmem:v55+s24+$0x0], $0xffff;
	_ =	sdelay $0x4  }
0x7d: {  	v7 =	vld.idx.msk [tilespmem:v55+s28+$0x0], $0xffff;
	[tilespmem:$0x610] =	vst v3  }
0x7e: {  	v8 =	vld.idx.msk [tilespmem:v55+s26+$0x0], $0xffff;
	_ =	sdelay $0x3  }
0x7f: {  	v56 =	vld [tilespmem:$0xA20];
	[tilespmem:$0x810] =	vst v7  }
0x80: {  	[tilespmem:$0x710] =	vst v8  }
0x81: {  	v6 =	vld.idx.msk [tilespmem:v55+s29+$0x0], $0xffff;
	_ =	sdelay $0x4  }
0x82: {  	[tilespmem:$0x910] =	vst v6  }
0x83: {  	v6 =	vld.idx.msk [tilespmem:v56+s24+$0x0], $0xffff;
	_ =	sdelay $0x4  }
0x84: {  	v9 =	vld.idx.msk [tilespmem:v56+s28+$0x0], $0xffff;
	[tilespmem:$0x620] =	vst v6  }
0x85: {  	v10 =	vld.idx.msk [tilespmem:v56+s26+$0x0], $0xffff;
	_ =	sdelay $0x3  }
0x86: {  	v57 =	vld [tilespmem:$0xA30];
	[tilespmem:$0x820] =	vst v9  }
0x87: {  	[tilespmem:$0x720] =	vst v10  }
0x88: {  	v8 =	vld.idx.msk [tilespmem:v56+s29+$0x0], $0xffff;
	_ =	sdelay $0x4  }
0x89: {  	[tilespmem:$0x920] =	vst v8  }
0x8a: {  	v8 =	vld.idx.msk [tilespmem:v57+s24+$0x0], $0xffff;
	_ =	sdelay $0x4  }
0x8b: {  	v11 =	vld.idx.msk [tilespmem:v57+s28+$0x0], $0xffff;
	[tilespmem:$0x630] =	vst v8  }
0x8c: {  	v12 =	vld.idx.msk [tilespmem:v57+s26+$0x0], $0xffff;
	_ =	sdelay $0x3  }
0x8d: {  	v58 =	vld [tilespmem:$0xA40];
	[tilespmem:$0x830] =	vst v11  }
0x8e: {  	[tilespmem:$0x730] =	vst v12  }
0x8f: {  	v10 =	vld.idx.msk [tilespmem:v57+s29+$0x0], $0xffff;
	_ =	sdelay $0x4  }
0x90: {  	[tilespmem:$0x930] =	vst v10  }
0x91: {  	v10 =	vld.idx.msk [tilespmem:v58+s24+$0x0], $0xffff;
	_ =	sdelay $0x4  }
0x92: {  	v13 =	vld.idx.msk [tilespmem:v58+s28+$0x0], $0xffff;
	[tilespmem:$0x640] =	vst v10  }
0x93: {  	v14 =	vld.idx.msk [tilespmem:v58+s26+$0x0], $0xffff;
	_ =	sdelay $0x3  }
0x94: {  	v59 =	vld [tilespmem:$0xA50];
	[tilespmem:$0x840] =	vst v13  }
0x95: {  	[tilespmem:$0x740] =	vst v14  }
0x96: {  	v12 =	vld.idx.msk [tilespmem:v58+s29+$0x0], $0xffff;
	_ =	sdelay $0x4  }
0x97: {  	[tilespmem:$0x940] =	vst v12  }
0x98: {  	v12 =	vld.idx.msk [tilespmem:v59+s24+$0x0], $0xffff;
	_ =	sdelay $0x4  }
0x99: {  	v15 =	vld.idx.msk [tilespmem:v59+s28+$0x0], $0xffff;
	[tilespmem:$0x650] =	vst v12  }
0x9a: {  	v16 =	vld.idx.msk [tilespmem:v59+s26+$0x0], $0xffff;
	_ =	sdelay $0x3  }
0x9b: {  	v60 =	vld [tilespmem:$0xA60];
	[tilespmem:$0x850] =	vst v15  }
0x9c: {  	[tilespmem:$0x750] =	vst v16  }
0x9d: {  	v14 =	vld.idx.msk [tilespmem:v59+s29+$0x0], $0xffff;
	_ =	sdelay $0x4  }
0x9e: {  	[tilespmem:$0x950] =	vst v14  }
0x9f: {  	v14 =	vld.idx.msk [tilespmem:v60+s24+$0x0], $0xffff;
	_ =	sdelay $0x4  }
0xa0: {  	v17 =	vld.idx.msk [tilespmem:v60+s28+$0x0], $0xffff;
	[tilespmem:$0x660] =	vst v14  }
0xa1: {  	v18 =	vld.idx.msk [tilespmem:v60+s26+$0x0], $0xffff;
	_ =	sdelay $0x3  }
0xa2: {  	v61 =	vld [tilespmem:$0xA70];
	[tilespmem:$0x860] =	vst v17  }
0xa3: {  	[tilespmem:$0x760] =	vst v18  }
0xa4: {  	v16 =	vld.idx.msk [tilespmem:v60+s29+$0x0], $0xffff;
	_ =	sdelay $0x4  }
0xa5: {  	[tilespmem:$0x960] =	vst v16  }
0xa6: {  	v4 =	vsub.f32 v5, v4;
	v16 =	vld.idx.msk [tilespmem:v61+s24+$0x0], $0xffff  }
0xa7: {  	v3 =	vsub.f32 v7, v3  }
0xa8: {  	v4 =	vmax.f32 v4, $0.0e+00;
	v5 =	vsub.f32 v9, v6;
	v62 =	vld.idx.msk [tilespmem:v61+s28+$0x0], $0xffff  }
0xa9: {  	v3 =	vmax.f32 v4, v3;
	v4 =	vsub.f32 v11, v8  }
0xaa: {  	v3 =	vmax.f32 v3, v5;
	v5 =	vsub.f32 v13, v10  }
0xab: {  	v3 =	vmax.f32 v3, v4;
	v4 =	vsub.f32 v15, v12;
	[tilespmem:$0x670] =	vst v16  }
0xac: {  	v3 =	vmax.f32 v3, v5;
	v5 =	vsub.f32 v17, v14;
	v63 =	vld.idx.msk [tilespmem:v61+s26+$0x0], $0xffff  }
0xad: {  	v3 =	vmax.f32 v3, v4;
	v4 =	vsub.f32 v62, v16  }
0xae: {  	v3 =	vmax.f32 v3, v5  }
0xaf: {  	v3 =	vmax.f32 v3, v4  }
0xb0: {  	[tilespmem:$0x870] =	vst v62;
	(xrf0) =	vmax.scan.msk.f32 $0xffff, v3  }
0xb1: {  	[tilespmem:$0x770] =	vst v63  }
0xb2: {  	v3 =	vld.idx.msk [tilespmem:v61+s29+$0x0], $0xffff  }
.Ltmp2:
0xb3: {  	_ = 	snop;
	(pc) =	sbr.rel .LBB2_2-.Ltmp2, $3  }
0xb4: {  	_ =	sdelay $0x1  }
0xb5: {  	s6 =	simm.s32 @!p0 $0xD;
	v4, _, _ =	vpop (xrf0)  }
0xb6: {  	s6 =	simm.s32 @p0 $0xF;
	s7 =	simm.s32 $0x0;
	[tilespmem:$0x970] =	vst v3;
	v3 =	vbroadcast v4, $0xF  }
.LBB2_7:
0xb7: {  	_ =	sdelay $0x3  }
0xb8: {  	v4 =	vld.idx.msk [tilespmem:v10+s30+$0x0], $0xffff;
	_ =	sdelay $0x7  }
0xb9: {  	s7 =	sadd.s32 $0x1, s7;
	v5 =	vld.idx.msk [tilespmem:v4+s31+$0x0], $0xffff  }
0xba: {  	p1 =	sne.s32 s7, s6  }
.Ltmp3:
0xbb: {  	_ = 	snop;
	(pc) =	sbr.rel @!p1 .LBB2_8-.Ltmp3, $4  }
0xbc: {  	vm0 =	vlt.f32 v11, $5.000000000e-01  }
0xbd: {  	v4 =	vsel vm0, $0x0, v4;
	[tilespmem:s8+$0xC00] =	vst v11  }
0xbe: {  	[tilespmem:s8+$0xD00] =	vst v4;
	v5 =	vsel vm0, $0x0, v5  }
0xbf: {  	[tilespmem:s8+$0xB00] =	vst v5  }
.LBB2_2:
0xc0: {  	_ = 	snop  }
0xc1: {  	s8 =	sshll.u32 s7, $0x4  }
0xc2: {  	v4 =	vld [tilespmem:s8+$0x0];
	_ =	sdelay $0x1  }
0xc3: {  	v6 =	vld.idx.msk [tilespmem:v1+s0+$0x0], $0xffff  }
0xc4: {  	v5 =	vld [tilespmem:s8+$0x200];
	_ =	sdelay $0x1  }
0xc5: {  	v7 =	vsub.f32 v4, v3;
	_ =	sdelay $0x1  }
0xc6: {  	v10 =	vimm.s32 $0x0;
	vm0 =	vlt.f32 v6, v7  }
0xc7: {  	vm14 =	vle.f32 v6, v5;
	v8 =	vsel vm0, $0x40, v10  }
0xc8: {  	v6 =	vsel vm14, $0x40, v10;
	v9 =	vor.u32 $0x1F, v8  }
0xc9: {  	v11 =	vor.u32 $0x1F, v6;
	_ =	sdelay $0x3  }
0xca: {  	v9 =	vld.idx.msk [tilespmem:v9+s0+$0x0], $0xffff  }
0xcb: {  	v11 =	vld.idx.msk [tilespmem:v11+s0+$0x0], $0xffff;
	_ =	sdelay $0x3  }
0xcc: {  	vm15 =	vlt.f32 v9, v7;
	v9 =	vor.u32 $0x20, v8  }
0xcd: {  	vm4 =	vle.f32 v11, v5;
	v8 =	vsel vm15, v9, v8;
	v9 =	vor.u32 $0x20, v6  }
0xce: {  	v6 =	vsel vm4, v9, v6;
	v9 =	vor.u32 $0xF, v8  }
0xcf: {  	v11 =	vor.u32 $0xF, v6;
	_ =	sdelay $0x3  }
0xd0: {  	v9 =	vld.idx.msk [tilespmem:v9+s0+$0x0], $0xffff  }
0xd1: {  	v11 =	vld.idx.msk [tilespmem:v11+s0+$0x0], $0xffff;
	_ =	sdelay $0x3  }
0xd2: {  	vm5 =	vlt.f32 v9, v7;
	v9 =	vor.u32 $0x10, v8  }
0xd3: {  	v8 =	vsel vm5, v9, v8;
	vm6 =	vle.f32 v11, v5;
	v9 =	vor.u32 $0x10, v6  }
0xd4: {  	v6 =	vsel vm6, v9, v6;
	v9 =	vor.u32 $0x7, v8  }
0xd5: {  	v11 =	vor.u32 $0x7, v6;
	_ =	sdelay $0x3  }
0xd6: {  	v9 =	vld.idx.msk [tilespmem:v9+s0+$0x0], $0xffff  }
0xd7: {  	v11 =	vld.idx.msk [tilespmem:v11+s0+$0x0], $0xffff;
	_ =	sdelay $0x3  }
0xd8: {  	vm7 =	vlt.f32 v9, v7;
	v9 =	vor.u32 $0x8, v8  }
0xd9: {  	v8 =	vsel vm7, v9, v8;
	vm8 =	vle.f32 v11, v5;
	v9 =	vor.u32 $0x8, v6  }
0xda: {  	v6 =	vsel vm8, v9, v6;
	v9 =	vadd.s32 $0x3, v8  }
0xdb: {  	v11 =	vadd.s32 $0x3, v6;
	_ =	sdelay $0x3  }
0xdc: {  	v9 =	vld.idx.msk [tilespmem:v9+s0+$0x0], $0xffff  }
0xdd: {  	v11 =	vld.idx.msk [tilespmem:v11+s0+$0x0], $0xffff;
	_ =	sdelay $0x3  }
0xde: {  	vm9 =	vlt.f32 v9, v7;
	v9 =	vadd.s32 $0x4, v8  }
0xdf: {  	v8 =	vsel vm9, v9, v8;
	vm10 =	vle.f32 v11, v5;
	v9 =	vadd.s32 $0x4, v6  }
0xe0: {  	v6 =	vsel vm10, v9, v6;
	v9 =	vadd.s32 $0x1, v8  }
0xe1: {  	v11 =	vadd.s32 $0x1, v6;
	_ =	sdelay $0x3  }
0xe2: {  	v9 =	vld.idx.msk [tilespmem:v9+s0+$0x0], $0xffff  }
0xe3: {  	v11 =	vld.idx.msk [tilespmem:v11+s0+$0x0], $0xffff;
	_ =	sdelay $0x3  }
0xe4: {  	vm11 =	vlt.f32 v9, v7;
	v9 =	vadd.s32 $0x2, v8  }
0xe5: {  	v8 =	vsel vm11, v9, v8;
	vm12 =	vle.f32 v11, v5;
	v9 =	vadd.s32 $0x2, v6  }
0xe6: {  	v6 =	vsel vm12, v9, v6;
	_ =	sdelay $0x3  }
0xe7: {  	v9 =	vld.idx.msk [tilespmem:v8+s0+$0x0], $0xffff  }
0xe8: {  	v11 =	vld.idx.msk [tilespmem:v6+s0+$0x0], $0xffff;
	_ =	sdelay $0x3  }
0xe9: {  	vm13 =	vlt.f32 v9, v7  }
0xea: {  	v9 =	vsel vm13, $0x1, v2;
	vm14 =	vle.f32 v11, v5  }
0xeb: {  	v8 =	vadd.s32 v9, v8;
	v9 =	vsel vm14, $0x1, v2  }
0xec: {  	v9 =	vadd.s32 v9, v6;
	_ =	sdelay $0x3  }
0xed: {  	v6 =	vld.idx.msk [tilespmem:v8+s0+$0x0], $0xffff  }
0xee: {  	v11 =	vld.idx.msk [tilespmem:v9+s0+$0x0], $0xffff;
	_ =	sdelay $0x4  }
0xef: {  	vm15 =	vlt.f32 v6, v7;
	vm1 =	vle.f32 v11, v5  }
0xf0: {  	v6 =	vsel vm15, $0x1, v2;
	v7 =	vsel vm1, $0x1, v2  }
0xf1: {  	v6 =	vadd.s32 v6, v8;
	v7 =	vadd.s32 v7, v9  }
0xf2: {  	v7 =	vsub.s32 v7, v6  }
0xf3: {  	v7 =	vxor.u32 $0x80000000, v7  }
0xf4: {  	(xrf0) =	vmax.scan.msk.u32 $0xffff, v7;
	_ =	sdelay $0x5  }
0xf5: {  	v7, _, _ =	vpop (xrf0)  }
0xf6: {  	(v2sf) =	vpush v7, $0xF;
	_ =	sdelay $0xe  }
0xf7: {  	s9 =	spop (v2sf)  }
0xf8: {  	s9 =	sxor.u32 $0x80000000, s9  }
0xf9: {  	s10 =	sshra.s32 s9, $0x1F  }
0xfa: {  	v8 =	vld [tilespmem:s8+$0x300];
	s10 =	sshrl.u32 s10, $0x1E  }
0xfb: {  	v7 =	vld [tilespmem:s8+$0x100];
	s10 =	sadd.s32 s10, s9  }
0xfc: {  	s10 =	sand.u32 $0xFFFFFFFC, s10  }
0xfd: {  	p1 =	slt.s32 s10, $0x1  }
.Ltmp4:
0xfe: {  	_ = 	snop;
	(pc) =	sbr.rel @p1 .LBB2_3-.Ltmp4, $3  }
0xff: {  	_ = 	snop  }
0x100: {  	v9 =	vsub.f32 v5, v4;
	v11 =	vsub.f32 v8, v7;
	_ =	sdelay $0x1  }
0x101: {  	v9 =	vmul.f32 v11, v9  }
0x102: {  	s12 =	simm.s32 $0x1  }
0x103: {  	s13 =	simm.s32 $0x2;
	v12 =	vadd.s32 s12, v6  }
0x104: {  	v13 =	vadd.s32 s13, v6;
	vm0 =	vlt.s32 v12, $0x80  }
0x105: {  	vm13 =	vlt.s32 v13, $0x80;
	v12 =	vnsel vm0, $0x80, v12  }
0x106: {  	v13 =	vnsel vm13, $0x80, v13;
	_ =	sdelay $0x3  }
0x107: {  	s14 =	simm.s32 $0x3;
	v16 =	vld.idx.msk [tilespmem:v12+s1+$0x0], $0xffff  }
0x108: {  	v14 =	vadd.s32 s14, v6;
	v17 =	vld.idx.msk [tilespmem:v13+s1+$0x0], $0xffff  }
0x109: {  	vm14 =	vlt.s32 v14, $0x80;
	v15 =	vld.idx.msk [tilespmem:v13+s2+$0x0], $0xffff  }
0x10a: {  	v14 =	vnsel vm14, $0x80, v14;
	v18 =	vld.idx.msk [tilespmem:v13+s3+$0x0], $0xffff  }
0x10b: {  	v19 =	vld.idx.msk [tilespmem:v12+s0+$0x0], $0xffff  }
0x10c: {  	v20 =	vld.idx.msk [tilespmem:v12+s3+$0x0], $0xffff  }
0x10d: {  	v21 =	vld.idx.msk [tilespmem:v12+s2+$0x0], $0xffff  }
0x10e: {  	v11 =	vimm.f32 $0.0e+00;
	v22 =	vld.idx.msk [tilespmem:v13+s0+$0x0], $0xffff  }
0x10f: {  	s11 =	simm.s32 $0x0;
	v10 =	vimm.s32 $0x0;
	v29 =	vld.idx.msk [tilespmem:v14+s0+$0x0], $0xffff;
	v23 =	vmin.f32 v8, v16;
	v25 =	vmin.f32 v5, v18  }
0x110: {  	v26 =	vsub.f32 v17, v15;
	v27 =	vmax.f32 v7, v15;
	v15 =	vadd.s32 s11, v6  }
0x111: {  	v28 =	vmax.f32 v4, v19;
	v19 =	vsub.f32 v20, v19;
	vm15 =	vlt.s32 v15, $0x80  }
0x112: {  	v24 =	vld.idx.msk [tilespmem:v14+s1+$0x0], $0xffff;
	v20 =	vmin.f32 v5, v20;
	v16 =	vsub.f32 v16, v21;
	v15 =	vnsel vm15, $0x80, v15  }
0x113: {  	v17 =	vmin.f32 v8, v17;
	v21 =	vmax.f32 v7, v21;
	v18 =	vsub.f32 v18, v22  }
0x114: {  	p2 =	sgt.s32 s10, $0x4;
	v36 =	vmax.f32 v4, v29;
	v20 =	vsub.f32 v20, v28;
	v17 =	vsub.f32 v17, v27;
	v27 =	vld.idx.msk [tilespmem:v14+s3+$0x0], $0xffff  }
.Ltmp5:
0x115: {  	v28 =	vmax.f32 v4, v22;
	v21 =	vsub.f32 v23, v21;
	v16 =	vmul.f32 v16, v19;
	(pc) =	sbr.rel @!p2 .LBB2_11-.Ltmp5, $4  }
0x116: {  	v19 =	vsub.f32 v25, v28;
	v28 =	vld.idx.msk [tilespmem:v14+s2+$0x0], $0xffff;
	v22 =	vmax.f32 v17, $0.0e+00;
	v17 =	vmax.f32 v20, $0.0e+00  }
0x117: {  	v21 =	vmax.f32 v21, $0.0e+00;
	v20 =	vmul.f32 v26, v18;
	v26 =	vmin.f32 v8, v24;
	v30 =	vld.idx.msk [tilespmem:v15+s1+$0x0], $0xffff  }
0x118: {  	v17 =	vmul.f32 v21, v17;
	v18 =	vmax.f32 v19, $0.0e+00;
	v38 =	vadd.f32 v16, v9;
	v31 =	vld.idx.msk [tilespmem:v15+s3+$0x0], $0xffff  }
0x119: {  	p1 =	por $0x0, $0x0;
	s11 =	simm.s32 $0x4;
	v16 =	vmul.f32 v22, v18;
	v32 =	vsub.f32 v27, v29;
	v39 =	vmin.f32 v5, v27;
	v35 =	vld.idx.msk [tilespmem:v15+s0+$0x0], $0xffff  }
0x11a: {  	_ = 	snop  }
0x11b: {  	s12 =	simm.s32 $0x5  }
0x11c: {  	s13 =	simm.s32 $0x6;
	v18 =	vadd.s32 s12, v6  }
0x11d: {  	v19 =	vadd.s32 s13, v6;
	vm0 =	vlt.s32 v18, $0x80  }
0x11e: {  	v21 =	vld.idx.msk [tilespmem:v15+s2+$0x0], $0xffff;
	v22 =	vsub.f32 v38, v17;
	vm13 =	vlt.s32 v19, $0x80;
	v18 =	vnsel vm0, $0x80, v18  }
0x11f: {  	s14 =	simm.s32 $0x7;
	v25 =	vsub.f32 v39, v36;
	v23 =	vsub.f32 v24, v28;
	v19 =	vnsel vm13, $0x80, v19  }
0x120: {  	v24 =	vadd.s32 s14, v6;
	v28 =	vmax.f32 v7, v28;
	v27 =	vmin.f32 v8, v30  }
0x121: {  	v26 =	vsub.f32 v26, v28;
	vm14 =	vlt.s32 v24, $0x80;
	(erf) = vrcp.f32 v22  }
0x122: {  	v23 =	vmul.f32 v23, v32;
	v22 =	vnsel vm14, $0x80, v24;
	v29 =	vsub.f32 v31, v35  }
0x123: {  	v33 =	vmax.f32 v4, v35;
	v30 =	vsub.f32 v30, v21;
	v21 =	vmax.f32 v7, v21;
	v34 =	vld.idx.msk [tilespmem:v18+s1+$0x0], $0xffff  }
0x124: {  	v31 =	vmin.f32 v5, v31;
	v26 =	vmax.f32 v26, $0.0e+00;
	v27 =	vsub.f32 v27, v21;
	v28 =	vld.idx.msk [tilespmem:v19+s1+$0x0], $0xffff  }
0x125: {  	v21 =	vmax.f32 v25, $0.0e+00;
	v29 =	vmul.f32 v30, v29;
	v30 =	vsub.f32 v31, v33;
	v31 =	vld.idx.msk [tilespmem:v19+s2+$0x0], $0xffff  }
0x126: {  	v23 =	vadd.f32 v23, v9;
	v21 =	vmul.f32 v26, v21;
	v25 =	vld.idx.msk [tilespmem:v19+s3+$0x0], $0xffff  }
0x127: {  	v20 =	vadd.f32 v20, v9;
	v57 =	vld.idx.msk [tilespmem:v18+s0+$0x0], $0xffff  }
0x128: {  	v27 =	vmax.f32 v27, $0.0e+00;
	v58 =	vld.idx.msk [tilespmem:v18+s3+$0x0], $0xffff;
	v26 =	vmax.f32 v30, $0.0e+00;
	v23 =	vsub.f32 v23, v21  }
0x129: {  	v20 =	vsub.f32 v20, v16;
	v61 =	vld.idx.msk [tilespmem:v22+s0+$0x0], $0xffff;
	v29 =	vadd.f32 v29, v9;
	v27 =	vmul.f32 v27, v26  }
0x12a: {  	v30 =	vld.idx.msk [tilespmem:v19+s0+$0x0], $0xffff;
	(erf) = vrcp.f32 v23  }
0x12b: {  	v26 =	vld.idx.msk [tilespmem:v18+s2+$0x0], $0xffff;
	v23 =	vadd.s32 s11, v6;
	v24 =	vsub.f32 v29, v27;
	(erf) = vrcp.f32 v20  }
0x12c: {  	vm15 =	vlt.s32 v23, $0x80;
	v59 =	vmin.f32 v8, v34;
	v29 =	vmin.f32 v5, v25  }
0x12d: {  	v20 =	vsub.f32 v28, v31;
	v31 =	vmax.f32 v7, v31;
	(erf) = vrcp.f32 v24  }
0x12e: {  	v60 =	vmax.f32 v4, v57;
	v32 =	vsub.f32 v58, v57;
	v33 =	vmin.f32 v5, v58  }
0x12f: {  	v28 =	vmin.f32 v8, v28;
	v23 =	vnsel vm15, $0x80, v23;
	v36 =	vmax.f32 v4, v61  }
0x130: {  	v40 =	vld.idx.msk [tilespmem:v22+s3+$0x0], $0xffff;
	v37 =	vmax.f32 v4, v30;
	v28 =	vsub.f32 v28, v31;
	v34 =	vsub.f32 v34, v26  }
0x131: {  	v62 =	vpop (erf);
	v24 =	vld.idx.msk [tilespmem:v22+s1+$0x0], $0xffff;
	v25 =	vsub.f32 v25, v30;
	v26 =	vmax.f32 v7, v26;
	v30 =	vsub.f32 v29, v37  }
0x132: {  	p2 =	sgt.s32 s10, $0x8;
	v31 =	vsub.f32 v33, v60;
	v29 =	vmul.f32 v62, v17;
	v26 =	vsub.f32 v59, v26  }
.Ltmp6:
0x133: {  	v63 =	vmax.f32 v28, $0.0e+00;
	v20 =	vmul.f32 v20, v25;
	v25 =	vmax.f32 v30, $0.0e+00;
	(pc) =	sbr.rel @!p2 .LBB2_13-.Ltmp6, $4  }
0x134: {  	v17 =	vmax.f32 v31, $0.0e+00;
	v28 =	vld.idx.msk [tilespmem:v22+s2+$0x0], $0xffff;
	v32 =	vmul.f32 v34, v32;
	v26 =	vmax.f32 v26, $0.0e+00;
	v34 =	vpop (erf)  }
0x135: {  	v39 =	vmin.f32 v5, v40;
	v30 =	vld.idx.msk [tilespmem:v23+s1+$0x0], $0xffff;
	v42 =	vmul.f32 v63, v25;
	v17 =	vmul.f32 v26, v17;
	v33 =	vpop (erf)  }
0x136: {  	v31 =	vld.idx.msk [tilespmem:v23+s3+$0x0], $0xffff;
	v26 =	vmin.f32 v8, v24;
	v38 =	vadd.f32 v32, v9;
	v32 =	vsub.f32 v40, v61;
	v25 =	vpop (erf)  }
0x137: {  	p1 =	por $0x1, $0x1;
	s11 =	simm.s32 $0x8;
	v35 =	vld.idx.msk [tilespmem:v23+s0+$0x0], $0xffff;
	v37 =	vmul.f32 v25, v27;
	v27 =	vimm.f32 $0.0e+00;
	v25 =	vimm.s32 $0x0  }
.LBB2_14:
0x138: {  	s13 =	sadd.s32 $0x1, s11  }
0x139: {  	s14 =	sadd.s32 $0x3, s11;
	v40 =	vld.idx.msk [tilespmem:v23+s2+$0x0], $0xffff;
	v38 =	vsub.f32 v38, v17;
	v24 =	vsub.f32 v24, v28;
	v34 =	vmul.f32 v34, v21;
	s12 =	smov.u32 s11;
	s11 =	sadd.s32 $0x4, s11  }
0x13a: {  	v21 =	vadd.s32 s13, v6;
	s13 =	sadd.s32 $0x2, s12;
	v41 =	vadd.s32 s14, v6;
	p2 =	slt.s32 s11, s10;
	vm1 =	vgt.f32 v37, v27  }
0x13b: {  	v36 =	vsub.f32 v39, v36;
	vm0 =	vlt.s32 v21, $0x80;
	v43 =	vadd.s32 s13, v6  }
0x13c: {  	v28 =	vmax.f32 v7, v28;
	v39 =	vmin.f32 v8, v30;
	v27 =	vsel vm1, v37, v27  }
0x13d: {  	v37 =	vnsel vm0, $0x80, v21;
	vm2 =	vlt.s32 v43, $0x80;
	vm0 =	vgt.f32 v29, v27  }
0x13e: {  	v43 =	vnsel vm2, $0x80, v43;
	v21 =	vsub.f32 v31, v35;
	v27 =	vsel vm0, v29, v27  }
0x13f: {  	v33 =	vmul.f32 v33, v16;
	v16 =	vmovc v42;
	v29 =	vsub.f32 v30, v40;
	v30 =	vmax.f32 v4, v35  }
0x140: {  	v25 =	vsel vm1, v15, v25;
	v15 =	vmovc v23;
	v31 =	vmin.f32 v5, v31;
	v35 =	vmax.f32 v7, v40  }
0x141: {  	v24 =	vmul.f32 v24, v32;
	v23 =	vsub.f32 v39, v35;
	v21 =	vmul.f32 v29, v21  }
0x142: {  	v26 =	vsub.f32 v26, v28;
	v30 =	vsub.f32 v31, v30;
	v31 =	vmax.f32 v36, $0.0e+00;
	v29 =	vld.idx.msk [tilespmem:v37+s1+$0x0], $0xffff  }
0x143: {  	vm1 =	vlt.s32 v41, $0x80;
	vm2 =	vgt.f32 v33, v27;
	v32 =	vadd.f32 v21, v9;
	v28 =	vld.idx.msk [tilespmem:v43+s1+$0x0], $0xffff  }
0x144: {  	v36 =	vnsel vm1, $0x80, v41;
	v27 =	vsel vm2, v33, v27;
	v30 =	vmax.f32 v30, $0.0e+00;
	v35 =	vld.idx.msk [tilespmem:v43+s2+$0x0], $0xffff  }
0x145: {  	v25 =	vsel vm0, v12, v25;
	v12 =	vmovc v18;
	v18 =	vmovc v37;
	v23 =	vmax.f32 v23, $0.0e+00;
	v21 =	vmax.f32 v26, $0.0e+00;
	v33 =	vld.idx.msk [tilespmem:v43+s3+$0x0], $0xffff  }
0x146: {  	v24 =	vadd.f32 v24, v9;
	v25 =	vsel vm2, v13, v25;
	v21 =	vmul.f32 v21, v31;
	v26 =	vld.idx.msk [tilespmem:v37+s0+$0x0], $0xffff  }
0x147: {  	v20 =	vadd.f32 v20, v9;
	v13 =	vmovc v19;
	vm0 =	vgt.f32 v34, v27;
	v31 =	vld.idx.msk [tilespmem:v43+s0+$0x0], $0xffff;
	(erf) = vrcp.f32 v38  }
0x148: {  	v27 =	vsel vm0, v34, v27;
	v40 =	vmul.f32 v23, v30;
	v24 =	vsub.f32 v24, v21;
	v38 =	vld.idx.msk [tilespmem:v37+s3+$0x0], $0xffff  }
0x149: {  	v20 =	vsub.f32 v20, v16;
	v25 =	vsel vm0, v14, v25;
	v34 =	vmin.f32 v8, v29;
	v30 =	vld.idx.msk [tilespmem:v37+s2+$0x0], $0xffff  }
0x14a: {  	v19 =	vmovc v43;
	v14 =	vmovc v22;
	v22 =	vmov v36;
	v23 =	vsub.f32 v32, v40;
	(erf) = vrcp.f32 v24  }
0x14b: {  	v32 =	vmin.f32 v5, v33;
	(erf) = vrcp.f32 v20  }
0x14c: {  	v20 =	vsub.f32 v28, v35;
	v35 =	vmax.f32 v7, v35;
	(erf) = vrcp.f32 v23  }
0x14d: {  	v37 =	vmax.f32 v4, v26;
	v23 =	vadd.s32 s12, v6;
	v39 =	vmax.f32 v4, v31  }
0x14e: {  	vm0 =	vlt.s32 v23, $0x80;
	v26 =	vsub.f32 v38, v26;
	v42 =	vmin.f32 v5, v38;
	v24 =	vld.idx.msk [tilespmem:v36+s1+$0x0], $0xffff  }
0x14f: {  	v28 =	vmin.f32 v8, v28;
	v23 =	vnsel vm0, $0x80, v23;
	v29 =	vsub.f32 v29, v30;
	v41 =	vld.idx.msk [tilespmem:v36+s0+$0x0], $0xffff  }
0x150: {  	v35 =	vsub.f32 v28, v35;
	v30 =	vmax.f32 v7, v30;
	v36 =	vsub.f32 v42, v37;
	v37 =	vld.idx.msk [tilespmem:v22+s3+$0x0], $0xffff;
	v38 =	vpop (erf)  }
0x151: {  	v42 =	vmul.f32 v29, v26;
	v26 =	vsub.f32 v34, v30;
	v30 =	vsub.f32 v33, v31;
	v28 =	vld.idx.msk [tilespmem:v22+s2+$0x0], $0xffff  }
.Ltmp7:
0x152: {  	v31 =	vsub.f32 v32, v39;
	v32 =	vmax.f32 v35, $0.0e+00;
	v29 =	vmul.f32 v38, v17;
	(pc) =	sbr.rel @p2 .LBB2_14-.Ltmp7, $4  }
0x153: {  	v17 =	vmax.f32 v36, $0.0e+00;
	v26 =	vmax.f32 v26, $0.0e+00;
	v20 =	vmul.f32 v20, v30;
	v34 =	vpop (erf)  }
0x154: {  	v35 =	vmax.f32 v31, $0.0e+00;
	v17 =	vmul.f32 v26, v17;
	v26 =	vmin.f32 v8, v24;
	v30 =	vld.idx.msk [tilespmem:v23+s1+$0x0], $0xffff;
	v33 =	vpop (erf)  }
0x155: {  	v38 =	vadd.f32 v42, v9;
	v42 =	vmul.f32 v32, v35;
	v36 =	vmax.f32 v4, v41;
	v31 =	vld.idx.msk [tilespmem:v23+s3+$0x0], $0xffff;
	v43 =	vpop (erf)  }
0x156: {  	v32 =	vsub.f32 v37, v41;
	v39 =	vmin.f32 v5, v37;
	v35 =	vld.idx.msk [tilespmem:v23+s0+$0x0], $0xffff;
	v37 =	vmul.f32 v43, v40  }
0x157: {  	v44 =	vmov v16;
	v40 =	vmov v12;
	v41 =	vmov v13  }
0x158: {  	v43 =	vmovc v14;
	v16 =	vmovc v42;
	v12 =	vmov v18;
	v13 =	vmov v19;
	v14 =	vmov v22  }
.LBB2_16:
0x159: {  	_ =	sdelay $0x3  }
0x15a: {  	v18 =	vld.idx.msk [tilespmem:v23+s2+$0x0], $0xffff  }
0x15b: {  	v19 =	vsub.f32 v38, v17  }
0x15c: {  	v22 =	vsub.f32 v24, v28;
	v47 =	vsub.f32 v39, v36;
	v48 =	vmax.f32 v7, v28  }
0x15d: {  	v49 =	vmin.f32 v8, v30;
	v26 =	vsub.f32 v26, v48;
	v53 =	vmin.f32 v5, v31  }
0x15e: {  	v50 =	vsub.f32 v31, v35;
	v52 =	vmax.f32 v4, v35;
	v22 =	vmul.f32 v22, v32  }
0x15f: {  	v24 =	vmax.f32 v47, $0.0e+00;
	v51 =	vsub.f32 v30, v18;
	v18 =	vmax.f32 v7, v18  }
0x160: {  	v31 =	vsub.f32 v53, v52;
	v26 =	vmax.f32 v26, $0.0e+00;
	v18 =	vsub.f32 v49, v18  }
0x161: {  	v24 =	vmul.f32 v26, v24;
	v22 =	vadd.f32 v22, v9;
	v28 =	vmul.f32 v51, v50  }
0x162: {  	v20 =	vadd.f32 v20, v9;
	v54 =	vmax.f32 v31, $0.0e+00;
	v18 =	vmax.f32 v18, $0.0e+00  }
0x163: {  	v22 =	vsub.f32 v22, v24;
	v28 =	vadd.f32 v28, v9;
	v18 =	vmul.f32 v18, v54  }
0x164: {  	(erf) = vrcp.f32 v19;
	v55 =	vsub.f32 v20, v16  }
0x165: {  	(erf) = vrcp.f32 v22;
	v56 =	vsub.f32 v28, v18  }
0x166: {  	(erf) = vrcp.f32 v55  }
0x167: {  	(erf) = vrcp.f32 v56;
	_ =	sdelay $0x2  }
0x168: {  	vm0 =	vgt.f32 @p1 v37, v27  }
0x169: {  	v19 =	vsel @p1 vm0, v37, v27  }
0x16a: {  	v20 =	vmul.f32 @p1 v33, v44;
	vm1 =	vgt.f32 @p1 v29, v19  }
0x16b: {  	v19 =	vsel @p1 vm1, v29, v19;
	v57 =	vpop (erf)  }
0x16c: {  	v21 =	vmul.f32 @p1 v34, v21;
	vm2 =	vgt.f32 @p1 v20, v19;
	v58 =	vpop (erf)  }
0x16d: {  	v19 =	vsel @p1 vm2, v20, v19;
	v59 =	vpop (erf)  }
0x16e: {  	vm3 =	vgt.f32 @p1 v21, v19;
	v60 =	vpop (erf)  }
0x16f: {  	v19 =	vsel @p1 vm3, v21, v19;
	v18 =	vmul.f32 v60, v18  }
0x170: {  	v15 =	vsel @p1 vm0, v15, v25;
	v11 =	vpsel p1, v19, v11  }
0x171: {  	v15 =	vsel @p1 vm1, v40, v15;
	v61 =	vmul.f32 v57, v17;
	vm12 =	vgt.f32 v18, v11  }
0x172: {  	v15 =	vsel @p1 vm2, v41, v15;
	v11 =	vsel vm12, v18, v11  }
0x173: {  	v15 =	vsel @p1 vm3, v43, v15;
	v62 =	vmul.f32 v59, v16;
	vm13 =	vgt.f32 v61, v11  }
.Ltmp8:
0x174: {  	v10 =	vpsel p1, v15, v10;
	v11 =	vsel vm13, v61, v11;
	(pc) =	sbr.rel .LBB2_4-.Ltmp8, $4  }
0x175: {  	v63 =	vmul.f32 v58, v24;
	v10 =	vsel vm12, v23, v10;
	vm14 =	vgt.f32 v62, v11  }
0x176: {  	v10 =	vsel vm13, v12, v10;
	v11 =	vsel vm14, v62, v11  }
0x177: {  	v10 =	vsel vm14, v13, v10;
	vm15 =	vgt.f32 v63, v11  }
0x178: {  	v11 =	vsel vm15, v63, v11;
	v10 =	vsel vm15, v14, v10  }
.LBB2_3:
0x179: {  	v11 =	vimm.f32 $0.0e+00  }
.LBB2_4:
0x17a: {  	p1 =	sge.s32 s10, s9  }
.Ltmp9:
0x17b: {  	_ = 	snop;
	(pc) =	sbr.rel @p1 .LBB2_7-.Ltmp9, $1  }
0x17c: {  	_ =	sdelay $0x3  }
0x17d: {  	s10 =	ssub.s32 s9, s10  }
0x17e: {  	s10 =	ssub.s32 $0x0, s10  }
.LBB2_6:
0x17f: {  	s11 =	sadd.s32 s10, s9  }
0x180: {  	v12 =	vadd.s32 s11, v6  }
0x181: {  	vm0 =	vlt.s32 v12, $0x80  }
0x182: {  	v12 =	vnsel vm0, $0x80, v12;
	_ =	sdelay $0x4  }
0x183: {  	v13 =	vld.idx.msk [tilespmem:v12+s0+$0x0], $0xffff  }
0x184: {  	v14 =	vld.idx.msk [tilespmem:v12+s2+$0x0], $0xffff  }
0x185: {  	v15 =	vld.idx.msk [tilespmem:v12+s3+$0x0], $0xffff  }
0x186: {  	v16 =	vld.idx.msk [tilespmem:v12+s1+$0x0], $0xffff;
	_ =	sdelay $0x4  }
0x187: {  	v17 =	vsub.f32 v15, v13;
	v18 =	vsub.f32 v16, v14;
	v15 =	vmin.f32 v5, v15  }
0x188: {  	v13 =	vmax.f32 v4, v13;
	v16 =	vmin.f32 v8, v16;
	v14 =	vmax.f32 v7, v14  }
0x189: {  	v13 =	vsub.f32 v15, v13;
	v14 =	vsub.f32 v16, v14  }
0x18a: {  	v62 =	vmul.f32 v18, v17  }
0x18b: {  	v13 =	vmax.f32 v13, $0.0e+00;
	v14 =	vmax.f32 v14, $0.0e+00  }
0x18c: {  	v13 =	vmul.f32 v14, v13;
	v63 =	vadd.f32 v62, v9;
	_ =	sdelay $0x1  }
0x18d: {  	v14 =	vsub.f32 v63, v13;
	_ =	sdelay $0x1  }
0x18e: {  	(erf) = vrcp.f32 v14;
	_ =	sdelay $0x6  }
0x18f: {  	s10 =	sadd.s32 $0x1, s10  }
0x190: {  	p1 =	seq.s32 s10, $0x0  }
.Ltmp10:
0x191: {  	v14 =	vpop (erf);
	(pc) =	sbr.rel @!p1 .LBB2_6-.Ltmp10, $3  }
0x192: {  	v13 =	vmul.f32 v14, v13;
	_ =	sdelay $0x1  }
0x193: {  	vm15 =	vgt.f32 v13, v11  }
0x194: {  	v11 =	vsel vm15, v13, v11;
	v10 =	vsel vm15, v12, v10  }
.Ltmp11:
0x195: {  	_ = 	snop;
	(pc) =	sbr.rel .LBB2_7-.Ltmp11, $1  }
0x196: {  	_ =	sdelay $0x3  }
.LBB2_11:
.Ltmp12:
0x197: {  	(pc) =	sbr.rel .LBB2_16-.Ltmp12, $2  }
0x198: {  	_ =	sdelay $0x2  }
0x199: {  	v23 =	vmov v15;
	v27 =	vimm.f32 $0.0e+00;
	v25 =	vimm.s32 $0x0  }
.LBB2_13:
.Ltmp13:
0x19a: {  	(pc) =	sbr.rel .LBB2_16-.Ltmp13, $3  }
0x19b: {  	_ =	sdelay $0x1  }
0x19c: {  	v44 =	vmovc v16;
	v40 =	vmovc v12;
	v41 =	vmov v13;
	v43 =	vmov v14;
	v27 =	vimm.f32 $0.0e+00  }
0x19d: {  	v16 =	vmovc v42;
	v25 =	vimm.s32 $0x0;
	v12 =	vmovc v18;
	v13 =	vmov v19;
	v14 =	vmov v22  }
.LBB2_9:
0x19e: {  	_ =	sfence.sel $0x180000  }
0x19f: {  	[bflag:$0x0] =	sbarrier.arrive $0xFFFF  }
0x1a0: {  	_ =	strace $0x90000047  }
0x1a1: {  	s0 =	stileid.u32;
	[bflag:$0x2] =	sbarrier.arrive $0xFFFF  }
0x1a2: {  	p0 =	sne.s32 s0, $0x0;
	s0 =	rddreg [dreg:$0x5]  }
0x1a3: {  	s0 =	sadd.s32 @!p0 $0x100000, s0  }
0x1a4: {  	[sflag:s0] =	ssyncadd.tile.s32 @!p0 $0x1;
	_ =	shalt  }
.Lfunc_end2:
_tile_overlayer_lowered:
.L_overlay_start_2:
0x1a5: {  	(tag) =	ssettag $0x2  }
0x1a6: {  	s0 =	rddreg [dreg:$0x0];
	s2 =	stileid.u32  }
0x1a7: {  	s1 =	rddreg [dreg:$0x1];
	p0 =	sne.s32 s2, $0x0  }
0x1a8: {  	s3 =	rddreg [dreg:$0x2];
	[bflag:$0x3] =	sbarrier.arrive $0xFFFF;
	s2 =	simm.s32 @!p0 $0x1C01  }
0x1a9: {  	[timem:s3], [sflag:s2] =	dma.local @!p0 [hbm:s0], s1  }
0x1aa: {  	s0 =	simm.s32 @!p0 $0x1  }
0x1ab: {  	_ =	swait.ge @!p0 [sflag:s0], s1  }
0x1ac: {  	s1 =	ssub.s32 @!p0 $0x0, s1;
	[sflag:s0] =	ssyncset.done @!p0 $0x0  }
0x1ad: {  	[sflag:s0] =	ssyncadd.s32 @!p0 s1  }
0x1ae: {  	[bflag:$0x3] =	sbarrier.arrive $0xFFFF  }
0x1af: {  	_ =	shalt  }

</sc_bundles>
